<compile_context>
chip_gen: v7x
topology: tpu7x:2x2x1
jax: 0.10.2.dev20260603
libtpu: 0.0.44.dev20260713+nightly
codegen_flags: <defaults>
</compile_context>

<pallas_src>
import jax
import jax.numpy as jnp
from jax import lax
from jax.experimental import pallas as pl
from jax.experimental.pallas import tpu as pltpu
from jax.experimental.pallas import tpu_sc as plsc

NC = 2
NS = 16
NW = NC * NS
LANES = 16
CHUNK = 128
B = 16384
B_PER_W = B // NW
NCHUNK = B_PER_W // CHUNK
TILE1D = 1024


def _bias_body(ut_hbm, mt_hbm, u_hbm, m_hbm, gb_hbm, out_hbm,
               uidx_v, midx_v, urows_v, mrows_v, gb_v, sem, sem2, sem3, sem4):
    wid = lax.axis_index("s") * NC + lax.axis_index("c")
    su = pltpu.async_copy(u_hbm.at[wid], uidx_v, sem2)
    sm = pltpu.async_copy(m_hbm.at[wid], midx_v, sem3)
    sg = pltpu.async_copy(gb_hbm, gb_v, sem4)
    copies = []
    su.wait()
    for j in range(NCHUNK):
        copies.append(pltpu.async_copy(ut_hbm.at[uidx_v.at[j]], urows_v.at[j], sem))
    sm.wait()
    for j in range(NCHUNK):
        copies.append(pltpu.async_copy(mt_hbm.at[midx_v.at[j]], mrows_v.at[j], sem))
    sg.wait()
    for cp in copies:
        cp.wait()
    gbv = gb_v[...]
    for j in range(NCHUNK):
        for k in range(CHUNK // LANES):
            sl = pl.ds(k * LANES, LANES)
            urows_v[j, sl] = urows_v[j, sl] + mrows_v[j, sl] + gbv
    pltpu.sync_copy(urows_v, out_hbm.at[wid])


@jax.jit
def _bias_sc(ut, mt, u3, m3, gb16):
    mesh = plsc.VectorSubcoreMesh(core_axis_name="c", subcore_axis_name="s")
    return pl.kernel(
        _bias_body,
        out_type=jax.ShapeDtypeStruct((NW, NCHUNK, CHUNK), jnp.float32),
        mesh=mesh,
        scratch_types=[
            pltpu.VMEM((NCHUNK, CHUNK), jnp.int32),
            pltpu.VMEM((NCHUNK, CHUNK), jnp.int32),
            pltpu.VMEM((NCHUNK, CHUNK), jnp.float32),
            pltpu.VMEM((NCHUNK, CHUNK), jnp.float32),
            pltpu.VMEM((LANES,), jnp.float32),
            pltpu.SemaphoreType.DMA,
            pltpu.SemaphoreType.DMA,
            pltpu.SemaphoreType.DMA,
            pltpu.SemaphoreType.DMA,
        ],
    )(ut, mt, u3, m3, gb16)


def _pad_flat(table):
    v = table.shape[0]
    vp = ((v + TILE1D - 1) // TILE1D) * TILE1D
    padded = jnp.pad(table.T, ((0, 0), (0, vp - v)))
    return padded.reshape(vp)


def kernel(u, m, user_table, movie_table, global_bias):
    ut = _pad_flat(user_table)
    mt = _pad_flat(movie_table)
    u3 = u.astype(jnp.int32).reshape(NW, NCHUNK, CHUNK)
    m3 = m.astype(jnp.int32).reshape(NW, NCHUNK, CHUNK)
    gb16 = jnp.broadcast_to(global_bias.astype(jnp.float32), (LANES,))
    out = _bias_sc(ut, mt, u3, m3, gb16)
    return out.reshape(B, 1)

# --- scband reference (transcript-rebuilt; emitter-appended) ---
"""Pipeline reference for scband-bias-54554674594117 (READ-ONLY COPY).

The authoritative reference and input builder live on the scoring server;
editing this copy changes nothing except your own understanding.
"""

import jax, jax.numpy as jnp
import numpy as np

USERS = 1000000
MOVIES = 100000
BATCH = 16384

def setup_inputs(seed: int = 0) -> dict:
    key = jax.random.key(seed)
    k1, k2, k3, k4 = jax.random.split(key, 4)
    u = jax.random.randint(k1, (BATCH,), 0, USERS, dtype=jnp.int64 if jax.config.jax_enable_x64 else jnp.int32)
    m = jax.random.randint(k2, (BATCH,), 0, MOVIES, dtype=jnp.int64 if jax.config.jax_enable_x64 else jnp.int32)
    user_table = jax.random.normal(k3, (USERS, 1), dtype=jnp.float32) * 0.05
    movie_table = jax.random.normal(k4, (MOVIES, 1), dtype=jnp.float32) * 0.05
    global_bias = jnp.zeros((), dtype=jnp.float32)
    return {"u": u, "m": m, "user_table": user_table, "movie_table": movie_table, "global_bias": global_bias}

def reference(u, m, user_table, movie_table, global_bias):
    # Embedding lookups (output_dim=1 biases)
    ub = jnp.take(user_table, u, axis=0)   # [B, 1]
    mb = jnp.take(movie_table, m, axis=0)  # [B, 1]
    # tf.keras.layers.add([u, m]) + global_bias
    return ub + mb + global_bias

if __name__ == "__main__":
    import jax
    _d = setup_inputs()
    print(jax.jit(kernel)(*tuple(_d.values())))

</pallas_src>

<mosaic_0001>
#map = affine_map<(d0, d1) -> (0)>
#map1 = affine_map<(d0, d1) -> (0, 0, 0)>
module attributes {stable_mosaic.version = 14 : i64} {
  func.func @_bias_body(%arg0: i32, %arg1: i32, %arg2: memref<1000448xf32, #tpu.memory_space<hbm>>, %arg3: memref<100352xf32, #tpu.memory_space<hbm>>, %arg4: memref<32x4x128xi32, #tpu.memory_space<hbm>>, %arg5: memref<32x4x128xi32, #tpu.memory_space<hbm>>, %arg6: memref<16xf32, #tpu.memory_space<hbm>>, %arg7: memref<32x4x128xf32, #tpu.memory_space<hbm>>, %arg8: memref<4x128xi32, #tpu.memory_space<vmem>>, %arg9: memref<4x128xi32, #tpu.memory_space<vmem>>, %arg10: memref<4x128xf32, #tpu.memory_space<vmem>>, %arg11: memref<4x128xf32, #tpu.memory_space<vmem>>, %arg12: memref<16xf32, #tpu.memory_space<vmem>>, %arg13: memref<!tpu.dma_semaphore, #tpu.memory_space<semaphore_mem>>, %arg14: memref<!tpu.dma_semaphore, #tpu.memory_space<semaphore_mem>>, %arg15: memref<!tpu.dma_semaphore, #tpu.memory_space<semaphore_mem>>, %arg16: memref<!tpu.dma_semaphore, #tpu.memory_space<semaphore_mem>>) attributes {dimension_semantics = [#tpu.dimension_semantics<core_parallel>, #tpu.dimension_semantics<subcore_parallel>], iteration_bounds = array<i64: 2, 16>, scalar_prefetch = 0 : i64, scratch_operands = 9 : i64, tpu.core_type = #tpu.core_type<sc_vector_subcore>, window_params = [{transform_indices = #map}, {transform_indices = #map}, {transform_indices = #map1}, {transform_indices = #map1}, {transform_indices = #map}, {transform_indices = #map1}]} {
    %mul3A = arith.constant 2 : i32
    %mul3A_0 = arith.muli %arg1, %mul3A : i32
    %add3A = arith.addi %mul3A_0, %arg0 : i32
    %dma_start3A = arith.constant 0 : i32
    %dma_start3A_1 = arith.constant 0 : i32
    %dma_start3A_2 = tpu.memref_slice %arg4[%add3A, %dma_start3A, %dma_start3A_1] : memref<32x4x128xi32, #tpu.memory_space<hbm>> -> memref<1x4x128xi32, #tpu.memory_space<hbm>>
    %dma_start3A_3 = tpu.memref_squeeze %dma_start3A_2 : memref<1x4x128xi32, #tpu.memory_space<hbm>> -> memref<4x128xi32, #tpu.memory_space<hbm>>
    %dma_start3A_4 = arith.constant 0 : i32
    %dma_start3A_5 = arith.constant 0 : i32
    %dma_start3A_6 = tpu.memref_slice %arg4[%add3A, %dma_start3A_4, %dma_start3A_5] : memref<32x4x128xi32, #tpu.memory_space<hbm>> -> memref<1x4x128xi32, #tpu.memory_space<hbm>>
    %dma_start3A_7 = tpu.memref_squeeze %dma_start3A_6 : memref<1x4x128xi32, #tpu.memory_space<hbm>> -> memref<4x128xi32, #tpu.memory_space<hbm>>
    tpu.enqueue_dma source(%dma_start3A_7 : memref<4x128xi32, #tpu.memory_space<hbm>>) target(%arg8 : memref<4x128xi32, #tpu.memory_space<vmem>>) target_semaphore(%arg14 : memref<!tpu.dma_semaphore, #tpu.memory_space<semaphore_mem>>)
    %dma_start3A_8 = arith.constant 0 : i32
    %dma_start3A_9 = arith.constant 0 : i32
    %dma_start3A_10 = tpu.memref_slice %arg5[%add3A, %dma_start3A_8, %dma_start3A_9] : memref<32x4x128xi32, #tpu.memory_space<hbm>> -> memref<1x4x128xi32, #tpu.memory_space<hbm>>
    %dma_start3A_11 = tpu.memref_squeeze %dma_start3A_10 : memref<1x4x128xi32, #tpu.memory_space<hbm>> -> memref<4x128xi32, #tpu.memory_space<hbm>>
    %dma_start3A_12 = arith.constant 0 : i32
    %dma_start3A_13 = arith.constant 0 : i32
    %dma_start3A_14 = tpu.memref_slice %arg5[%add3A, %dma_start3A_12, %dma_start3A_13] : memref<32x4x128xi32, #tpu.memory_space<hbm>> -> memref<1x4x128xi32, #tpu.memory_space<hbm>>
    %dma_start3A_15 = tpu.memref_squeeze %dma_start3A_14 : memref<1x4x128xi32, #tpu.memory_space<hbm>> -> memref<4x128xi32, #tpu.memory_space<hbm>>
    tpu.enqueue_dma source(%dma_start3A_15 : memref<4x128xi32, #tpu.memory_space<hbm>>) target(%arg9 : memref<4x128xi32, #tpu.memory_space<vmem>>) target_semaphore(%arg15 : memref<!tpu.dma_semaphore, #tpu.memory_space<semaphore_mem>>)
    tpu.enqueue_dma source(%arg6 : memref<16xf32, #tpu.memory_space<hbm>>) target(%arg12 : memref<16xf32, #tpu.memory_space<vmem>>) target_semaphore(%arg16 : memref<!tpu.dma_semaphore, #tpu.memory_space<semaphore_mem>>)
    %dma_wait3A = arith.constant 0 : i32
    %dma_wait3A_16 = arith.constant 0 : i32
    %dma_wait3A_17 = tpu.memref_slice %arg4[%add3A, %dma_wait3A, %dma_wait3A_16] : memref<32x4x128xi32, #tpu.memory_space<hbm>> -> memref<1x4x128xi32, #tpu.memory_space<hbm>>
    %dma_wait3A_18 = tpu.memref_squeeze %dma_wait3A_17 : memref<1x4x128xi32, #tpu.memory_space<hbm>> -> memref<4x128xi32, #tpu.memory_space<hbm>>
    %dma_wait3A_19 = arith.constant 0 : i32
    %dma_wait3A_20 = arith.constant 0 : i32
    %dma_wait3A_21 = tpu.memref_slice %arg4[%add3A, %dma_wait3A_19, %dma_wait3A_20] : memref<32x4x128xi32, #tpu.memory_space<hbm>> -> memref<1x4x128xi32, #tpu.memory_space<hbm>>
    %dma_wait3A_22 = tpu.memref_squeeze %dma_wait3A_21 : memref<1x4x128xi32, #tpu.memory_space<hbm>> -> memref<4x128xi32, #tpu.memory_space<hbm>>
    tpu.wait_dma2 semaphore(%arg14 : memref<!tpu.dma_semaphore, #tpu.memory_space<semaphore_mem>>) src(%dma_wait3A_22 : memref<4x128xi32, #tpu.memory_space<hbm>>) dst(%arg8 : memref<4x128xi32, #tpu.memory_space<vmem>>)
    %dma_start3A_23 = arith.constant 0 : i32
    %dma_start3A_24 = arith.constant 0 : i32
    %dma_start3A_25 = arith.constant 0 : i32
    %dma_start3A_26 = tpu.memref_slice %arg10[%dma_start3A_24, %dma_start3A_25] : memref<4x128xf32, #tpu.memory_space<vmem>> -> memref<1x128xf32, #tpu.memory_space<vmem>>
    %dma_start3A_27 = tpu.memref_squeeze %dma_start3A_26 : memref<1x128xf32, #tpu.memory_space<vmem>> -> memref<128xf32, #tpu.memory_space<vmem>>
    %dma_start3A_28 = arith.constant 0 : i32
    %dma_start3A_29 = tpu.memref_slice %arg8[%dma_start3A_23, %dma_start3A_28] : memref<4x128xi32, #tpu.memory_space<vmem>> -> memref<1x128xi32, #tpu.memory_space<vmem>>
    %dma_start3A_30 = tpu.memref_squeeze %dma_start3A_29 : memref<1x128xi32, #tpu.memory_space<vmem>> -> memref<128xi32, #tpu.memory_space<vmem>>
    %dma_start3A_31 = arith.constant 0 : i32
    %dma_start3A_32 = tpu.memref_slice %arg2[%dma_start3A_31] : memref<1000448xf32, #tpu.memory_space<hbm>> -> memref<1000448xf32, #tpu.memory_space<hbm>>
    tpu.enqueue_indirect_dma source(%dma_start3A_32 : memref<1000448xf32, #tpu.memory_space<hbm>>) target(%dma_start3A_27 : memref<128xf32, #tpu.memory_space<vmem>>) offsets(%dma_start3A_30 : memref<128xi32, #tpu.memory_space<vmem>>) semaphore(%arg13 : memref<!tpu.dma_semaphore, #tpu.memory_space<semaphore_mem>>)
    %dma_start3A_33 = arith.constant 1 : i32
    %dma_start3A_34 = arith.constant 1 : i32
    %dma_start3A_35 = arith.constant 0 : i32
    %dma_start3A_36 = tpu.memref_slice %arg10[%dma_start3A_34, %dma_start3A_35] : memref<4x128xf32, #tpu.memory_space<vmem>> -> memref<1x128xf32, #tpu.memory_space<vmem>>
    %dma_start3A_37 = tpu.memref_squeeze %dma_start3A_36 : memref<1x128xf32, #tpu.memory_space<vmem>> -> memref<128xf32, #tpu.memory_space<vmem>>
    %dma_start3A_38 = arith.constant 0 : i32
    %dma_start3A_39 = tpu.memref_slice %arg8[%dma_start3A_33, %dma_start3A_38] : memref<4x128xi32, #tpu.memory_space<vmem>> -> memref<1x128xi32, #tpu.memory_space<vmem>>
    %dma_start3A_40 = tpu.memref_squeeze %dma_start3A_39 : memref<1x128xi32, #tpu.memory_space<vmem>> -> memref<128xi32, #tpu.memory_space<vmem>>
    %dma_start3A_41 = arith.constant 0 : i32
    %dma_start3A_42 = tpu.memref_slice %arg2[%dma_start3A_41] : memref<1000448xf32, #tpu.memory_space<hbm>> -> memref<1000448xf32, #tpu.memory_space<hbm>>
    tpu.enqueue_indirect_dma source(%dma_start3A_42 : memref<1000448xf32, #tpu.memory_space<hbm>>) target(%dma_start3A_37 : memref<128xf32, #tpu.memory_space<vmem>>) offsets(%dma_start3A_40 : memref<128xi32, #tpu.memory_space<vmem>>) semaphore(%arg13 : memref<!tpu.dma_semaphore, #tpu.memory_space<semaphore_mem>>)
    %dma_start3A_43 = arith.constant 2 : i32
    %dma_start3A_44 = arith.constant 2 : i32
    %dma_start3A_45 = arith.constant 0 : i32
    %dma_start3A_46 = tpu.memref_slice %arg10[%dma_start3A_44, %dma_start3A_45] : memref<4x128xf32, #tpu.memory_space<vmem>> -> memref<1x128xf32, #tpu.memory_space<vmem>>
    %dma_start3A_47 = tpu.memref_squeeze %dma_start3A_46 : memref<1x128xf32, #tpu.memory_space<vmem>> -> memref<128xf32, #tpu.memory_space<vmem>>
    %dma_start3A_48 = arith.constant 0 : i32
    %dma_start3A_49 = tpu.memref_slice %arg8[%dma_start3A_43, %dma_start3A_48] : memref<4x128xi32, #tpu.memory_space<vmem>> -> memref<1x128xi32, #tpu.memory_space<vmem>>
    %dma_start3A_50 = tpu.memref_squeeze %dma_start3A_49 : memref<1x128xi32, #tpu.memory_space<vmem>> -> memref<128xi32, #tpu.memory_space<vmem>>
    %dma_start3A_51 = arith.constant 0 : i32
    %dma_start3A_52 = tpu.memref_slice %arg2[%dma_start3A_51] : memref<1000448xf32, #tpu.memory_space<hbm>> -> memref<1000448xf32, #tpu.memory_space<hbm>>
    tpu.enqueue_indirect_dma source(%dma_start3A_52 : memref<1000448xf32, #tpu.memory_space<hbm>>) target(%dma_start3A_47 : memref<128xf32, #tpu.memory_space<vmem>>) offsets(%dma_start3A_50 : memref<128xi32, #tpu.memory_space<vmem>>) semaphore(%arg13 : memref<!tpu.dma_semaphore, #tpu.memory_space<semaphore_mem>>)
    %dma_start3A_53 = arith.constant 3 : i32
    %dma_start3A_54 = arith.constant 3 : i32
    %dma_start3A_55 = arith.constant 0 : i32
    %dma_start3A_56 = tpu.memref_slice %arg10[%dma_start3A_54, %dma_start3A_55] : memref<4x128xf32, #tpu.memory_space<vmem>> -> memref<1x128xf32, #tpu.memory_space<vmem>>
    %dma_start3A_57 = tpu.memref_squeeze %dma_start3A_56 : memref<1x128xf32, #tpu.memory_space<vmem>> -> memref<128xf32, #tpu.memory_space<vmem>>
    %dma_start3A_58 = arith.constant 0 : i32
    %dma_start3A_59 = tpu.memref_slice %arg8[%dma_start3A_53, %dma_start3A_58] : memref<4x128xi32, #tpu.memory_space<vmem>> -> memref<1x128xi32, #tpu.memory_space<vmem>>
    %dma_start3A_60 = tpu.memref_squeeze %dma_start3A_59 : memref<1x128xi32, #tpu.memory_space<vmem>> -> memref<128xi32, #tpu.memory_space<vmem>>
    %dma_start3A_61 = arith.constant 0 : i32
    %dma_start3A_62 = tpu.memref_slice %arg2[%dma_start3A_61] : memref<1000448xf32, #tpu.memory_space<hbm>> -> memref<1000448xf32, #tpu.memory_space<hbm>>
    tpu.enqueue_indirect_dma source(%dma_start3A_62 : memref<1000448xf32, #tpu.memory_space<hbm>>) target(%dma_start3A_57 : memref<128xf32, #tpu.memory_space<vmem>>) offsets(%dma_start3A_60 : memref<128xi32, #tpu.memory_space<vmem>>) semaphore(%arg13 : memref<!tpu.dma_semaphore, #tpu.memory_space<semaphore_mem>>)
    %dma_wait3A_63 = arith.constant 0 : i32
    %dma_wait3A_64 = arith.constant 0 : i32
    %dma_wait3A_65 = tpu.memref_slice %arg5[%add3A, %dma_wait3A_63, %dma_wait3A_64] : memref<32x4x128xi32, #tpu.memory_space<hbm>> -> memref<1x4x128xi32, #tpu.memory_space<hbm>>
    %dma_wait3A_66 = tpu.memref_squeeze %dma_wait3A_65 : memref<1x4x128xi32, #tpu.memory_space<hbm>> -> memref<4x128xi32, #tpu.memory_space<hbm>>
    %dma_wait3A_67 = arith.constant 0 : i32
    %dma_wait3A_68 = arith.constant 0 : i32
    %dma_wait3A_69 = tpu.memref_slice %arg5[%add3A, %dma_wait3A_67, %dma_wait3A_68] : memref<32x4x128xi32, #tpu.memory_space<hbm>> -> memref<1x4x128xi32, #tpu.memory_space<hbm>>
    %dma_wait3A_70 = tpu.memref_squeeze %dma_wait3A_69 : memref<1x4x128xi32, #tpu.memory_space<hbm>> -> memref<4x128xi32, #tpu.memory_space<hbm>>
    tpu.wait_dma2 semaphore(%arg15 : memref<!tpu.dma_semaphore, #tpu.memory_space<semaphore_mem>>) src(%dma_wait3A_70 : memref<4x128xi32, #tpu.memory_space<hbm>>) dst(%arg9 : memref<4x128xi32, #tpu.memory_space<vmem>>)
    %dma_start3A_71 = arith.constant 0 : i32
    %dma_start3A_72 = arith.constant 0 : i32
    %dma_start3A_73 = arith.constant 0 : i32
    %dma_start3A_74 = tpu.memref_slice %arg11[%dma_start3A_72, %dma_start3A_73] : memref<4x128xf32, #tpu.memory_space<vmem>> -> memref<1x128xf32, #tpu.memory_space<vmem>>
    %dma_start3A_75 = tpu.memref_squeeze %dma_start3A_74 : memref<1x128xf32, #tpu.memory_space<vmem>> -> memref<128xf32, #tpu.memory_space<vmem>>
    %dma_start3A_76 = arith.constant 0 : i32
    %dma_start3A_77 = tpu.memref_slice %arg9[%dma_start3A_71, %dma_start3A_76] : memref<4x128xi32, #tpu.memory_space<vmem>> -> memref<1x128xi32, #tpu.memory_space<vmem>>
    %dma_start3A_78 = tpu.memref_squeeze %dma_start3A_77 : memref<1x128xi32, #tpu.memory_space<vmem>> -> memref<128xi32, #tpu.memory_space<vmem>>
    %dma_start3A_79 = arith.constant 0 : i32
    %dma_start3A_80 = tpu.memref_slice %arg3[%dma_start3A_79] : memref<100352xf32, #tpu.memory_space<hbm>> -> memref<100352xf32, #tpu.memory_space<hbm>>
    tpu.enqueue_indirect_dma source(%dma_start3A_80 : memref<100352xf32, #tpu.memory_space<hbm>>) target(%dma_start3A_75 : memref<128xf32, #tpu.memory_space<vmem>>) offsets(%dma_start3A_78 : memref<128xi32, #tpu.memory_space<vmem>>) semaphore(%arg13 : memref<!tpu.dma_semaphore, #tpu.memory_space<semaphore_mem>>)
    %dma_start3A_81 = arith.constant 1 : i32
    %dma_start3A_82 = arith.constant 1 : i32
    %dma_start3A_83 = arith.constant 0 : i32
    %dma_start3A_84 = tpu.memref_slice %arg11[%dma_start3A_82, %dma_start3A_83] : memref<4x128xf32, #tpu.memory_space<vmem>> -> memref<1x128xf32, #tpu.memory_space<vmem>>
    %dma_start3A_85 = tpu.memref_squeeze %dma_start3A_84 : memref<1x128xf32, #tpu.memory_space<vmem>> -> memref<128xf32, #tpu.memory_space<vmem>>
    %dma_start3A_86 = arith.constant 0 : i32
    %dma_start3A_87 = tpu.memref_slice %arg9[%dma_start3A_81, %dma_start3A_86] : memref<4x128xi32, #tpu.memory_space<vmem>> -> memref<1x128xi32, #tpu.memory_space<vmem>>
    %dma_start3A_88 = tpu.memref_squeeze %dma_start3A_87 : memref<1x128xi32, #tpu.memory_space<vmem>> -> memref<128xi32, #tpu.memory_space<vmem>>
    %dma_start3A_89 = arith.constant 0 : i32
    %dma_start3A_90 = tpu.memref_slice %arg3[%dma_start3A_89] : memref<100352xf32, #tpu.memory_space<hbm>> -> memref<100352xf32, #tpu.memory_space<hbm>>
    tpu.enqueue_indirect_dma source(%dma_start3A_90 : memref<100352xf32, #tpu.memory_space<hbm>>) target(%dma_start3A_85 : memref<128xf32, #tpu.memory_space<vmem>>) offsets(%dma_start3A_88 : memref<128xi32, #tpu.memory_space<vmem>>) semaphore(%arg13 : memref<!tpu.dma_semaphore, #tpu.memory_space<semaphore_mem>>)
    %dma_start3A_91 = arith.constant 2 : i32
    %dma_start3A_92 = arith.constant 2 : i32
    %dma_start3A_93 = arith.constant 0 : i32
    %dma_start3A_94 = tpu.memref_slice %arg11[%dma_start3A_92, %dma_start3A_93] : memref<4x128xf32, #tpu.memory_space<vmem>> -> memref<1x128xf32, #tpu.memory_space<vmem>>
    %dma_start3A_95 = tpu.memref_squeeze %dma_start3A_94 : memref<1x128xf32, #tpu.memory_space<vmem>> -> memref<128xf32, #tpu.memory_space<vmem>>
    %dma_start3A_96 = arith.constant 0 : i32
    %dma_start3A_97 = tpu.memref_slice %arg9[%dma_start3A_91, %dma_start3A_96] : memref<4x128xi32, #tpu.memory_space<vmem>> -> memref<1x128xi32, #tpu.memory_space<vmem>>
    %dma_start3A_98 = tpu.memref_squeeze %dma_start3A_97 : memref<1x128xi32, #tpu.memory_space<vmem>> -> memref<128xi32, #tpu.memory_space<vmem>>
    %dma_start3A_99 = arith.constant 0 : i32
    %dma_start3A_100 = tpu.memref_slice %arg3[%dma_start3A_99] : memref<100352xf32, #tpu.memory_space<hbm>> -> memref<100352xf32, #tpu.memory_space<hbm>>
    tpu.enqueue_indirect_dma source(%dma_start3A_100 : memref<100352xf32, #tpu.memory_space<hbm>>) target(%dma_start3A_95 : memref<128xf32, #tpu.memory_space<vmem>>) offsets(%dma_start3A_98 : memref<128xi32, #tpu.memory_space<vmem>>) semaphore(%arg13 : memref<!tpu.dma_semaphore, #tpu.memory_space<semaphore_mem>>)
    %dma_start3A_101 = arith.constant 3 : i32
    %dma_start3A_102 = arith.constant 3 : i32
    %dma_start3A_103 = arith.constant 0 : i32
    %dma_start3A_104 = tpu.memref_slice %arg11[%dma_start3A_102, %dma_start3A_103] : memref<4x128xf32, #tpu.memory_space<vmem>> -> memref<1x128xf32, #tpu.memory_space<vmem>>
    %dma_start3A_105 = tpu.memref_squeeze %dma_start3A_104 : memref<1x128xf32, #tpu.memory_space<vmem>> -> memref<128xf32, #tpu.memory_space<vmem>>
    %dma_start3A_106 = arith.constant 0 : i32
    %dma_start3A_107 = tpu.memref_slice %arg9[%dma_start3A_101, %dma_start3A_106] : memref<4x128xi32, #tpu.memory_space<vmem>> -> memref<1x128xi32, #tpu.memory_space<vmem>>
    %dma_start3A_108 = tpu.memref_squeeze %dma_start3A_107 : memref<1x128xi32, #tpu.memory_space<vmem>> -> memref<128xi32, #tpu.memory_space<vmem>>
    %dma_start3A_109 = arith.constant 0 : i32
    %dma_start3A_110 = tpu.memref_slice %arg3[%dma_start3A_109] : memref<100352xf32, #tpu.memory_space<hbm>> -> memref<100352xf32, #tpu.memory_space<hbm>>
    tpu.enqueue_indirect_dma source(%dma_start3A_110 : memref<100352xf32, #tpu.memory_space<hbm>>) target(%dma_start3A_105 : memref<128xf32, #tpu.memory_space<vmem>>) offsets(%dma_start3A_108 : memref<128xi32, #tpu.memory_space<vmem>>) semaphore(%arg13 : memref<!tpu.dma_semaphore, #tpu.memory_space<semaphore_mem>>)
    tpu.wait_dma2 semaphore(%arg16 : memref<!tpu.dma_semaphore, #tpu.memory_space<semaphore_mem>>) src(%arg6 : memref<16xf32, #tpu.memory_space<hbm>>) dst(%arg12 : memref<16xf32, #tpu.memory_space<vmem>>)
    %dma_wait3A_111 = arith.constant 0 : i32
    %dma_wait3A_112 = arith.constant 0 : i32
    %dma_wait3A_113 = arith.constant 0 : i32
    %dma_wait3A_114 = tpu.memref_slice %arg10[%dma_wait3A_112, %dma_wait3A_113] : memref<4x128xf32, #tpu.memory_space<vmem>> -> memref<1x128xf32, #tpu.memory_space<vmem>>
    %dma_wait3A_115 = tpu.memref_squeeze %dma_wait3A_114 : memref<1x128xf32, #tpu.memory_space<vmem>> -> memref<128xf32, #tpu.memory_space<vmem>>
    %dma_wait3A_116 = arith.constant 0 : i32
    %dma_wait3A_117 = tpu.memref_slice %arg8[%dma_wait3A_111, %dma_wait3A_116] : memref<4x128xi32, #tpu.memory_space<vmem>> -> memref<1x128xi32, #tpu.memory_space<vmem>>
    %dma_wait3A_118 = tpu.memref_squeeze %dma_wait3A_117 : memref<1x128xi32, #tpu.memory_space<vmem>> -> memref<128xi32, #tpu.memory_space<vmem>>
    %dma_wait3A_119 = arith.constant 0 : i32
    %dma_wait3A_120 = tpu.memref_slice %arg2[%dma_wait3A_119] : memref<1000448xf32, #tpu.memory_space<hbm>> -> memref<1000448xf32, #tpu.memory_space<hbm>>
    tpu.wait_indirect_dma semaphore(%arg13 : memref<!tpu.dma_semaphore, #tpu.memory_space<semaphore_mem>>) src(%dma_wait3A_120 : memref<1000448xf32, #tpu.memory_space<hbm>>) dst(%dma_wait3A_115 : memref<128xf32, #tpu.memory_space<vmem>>)
    %dma_wait3A_121 = arith.constant 1 : i32
    %dma_wait3A_122 = arith.constant 1 : i32
    %dma_wait3A_123 = arith.constant 0 : i32
    %dma_wait3A_124 = tpu.memref_slice %arg10[%dma_wait3A_122, %dma_wait3A_123] : memref<4x128xf32, #tpu.memory_space<vmem>> -> memref<1x128xf32, #tpu.memory_space<vmem>>
    %dma_wait3A_125 = tpu.memref_squeeze %dma_wait3A_124 : memref<1x128xf32, #tpu.memory_space<vmem>> -> memref<128xf32, #tpu.memory_space<vmem>>
    %dma_wait3A_126 = arith.constant 0 : i32
    %dma_wait3A_127 = tpu.memref_slice %arg8[%dma_wait3A_121, %dma_wait3A_126] : memref<4x128xi32, #tpu.memory_space<vmem>> -> memref<1x128xi32, #tpu.memory_space<vmem>>
    %dma_wait3A_128 = tpu.memref_squeeze %dma_wait3A_127 : memref<1x128xi32, #tpu.memory_space<vmem>> -> memref<128xi32, #tpu.memory_space<vmem>>
    %dma_wait3A_129 = arith.constant 0 : i32
    %dma_wait3A_130 = tpu.memref_slice %arg2[%dma_wait3A_129] : memref<1000448xf32, #tpu.memory_space<hbm>> -> memref<1000448xf32, #tpu.memory_space<hbm>>
    tpu.wait_indirect_dma semaphore(%arg13 : memref<!tpu.dma_semaphore, #tpu.memory_space<semaphore_mem>>) src(%dma_wait3A_130 : memref<1000448xf32, #tpu.memory_space<hbm>>) dst(%dma_wait3A_125 : memref<128xf32, #tpu.memory_space<vmem>>)
    %dma_wait3A_131 = arith.constant 2 : i32
    %dma_wait3A_132 = arith.constant 2 : i32
    %dma_wait3A_133 = arith.constant 0 : i32
    %dma_wait3A_134 = tpu.memref_slice %arg10[%dma_wait3A_132, %dma_wait3A_133] : memref<4x128xf32, #tpu.memory_space<vmem>> -> memref<1x128xf32, #tpu.memory_space<vmem>>
    %dma_wait3A_135 = tpu.memref_squeeze %dma_wait3A_134 : memref<1x128xf32, #tpu.memory_space<vmem>> -> memref<128xf32, #tpu.memory_space<vmem>>
    %dma_wait3A_136 = arith.constant 0 : i32
    %dma_wait3A_137 = tpu.memref_slice %arg8[%dma_wait3A_131, %dma_wait3A_136] : memref<4x128xi32, #tpu.memory_space<vmem>> -> memref<1x128xi32, #tpu.memory_space<vmem>>
    %dma_wait3A_138 = tpu.memref_squeeze %dma_wait3A_137 : memref<1x128xi32, #tpu.memory_space<vmem>> -> memref<128xi32, #tpu.memory_space<vmem>>
    %dma_wait3A_139 = arith.constant 0 : i32
    %dma_wait3A_140 = tpu.memref_slice %arg2[%dma_wait3A_139] : memref<1000448xf32, #tpu.memory_space<hbm>> -> memref<1000448xf32, #tpu.memory_space<hbm>>
    tpu.wait_indirect_dma semaphore(%arg13 : memref<!tpu.dma_semaphore, #tpu.memory_space<semaphore_mem>>) src(%dma_wait3A_140 : memref<1000448xf32, #tpu.memory_space<hbm>>) dst(%dma_wait3A_135 : memref<128xf32, #tpu.memory_space<vmem>>)
    %dma_wait3A_141 = arith.constant 3 : i32
    %dma_wait3A_142 = arith.constant 3 : i32
    %dma_wait3A_143 = arith.constant 0 : i32
    %dma_wait3A_144 = tpu.memref_slice %arg10[%dma_wait3A_142, %dma_wait3A_143] : memref<4x128xf32, #tpu.memory_space<vmem>> -> memref<1x128xf32, #tpu.memory_space<vmem>>
    %dma_wait3A_145 = tpu.memref_squeeze %dma_wait3A_144 : memref<1x128xf32, #tpu.memory_space<vmem>> -> memref<128xf32, #tpu.memory_space<vmem>>
    %dma_wait3A_146 = arith.constant 0 : i32
    %dma_wait3A_147 = tpu.memref_slice %arg8[%dma_wait3A_141, %dma_wait3A_146] : memref<4x128xi32, #tpu.memory_space<vmem>> -> memref<1x128xi32, #tpu.memory_space<vmem>>
    %dma_wait3A_148 = tpu.memref_squeeze %dma_wait3A_147 : memref<1x128xi32, #tpu.memory_space<vmem>> -> memref<128xi32, #tpu.memory_space<vmem>>
    %dma_wait3A_149 = arith.constant 0 : i32
    %dma_wait3A_150 = tpu.memref_slice %arg2[%dma_wait3A_149] : memref<1000448xf32, #tpu.memory_space<hbm>> -> memref<1000448xf32, #tpu.memory_space<hbm>>
    tpu.wait_indirect_dma semaphore(%arg13 : memref<!tpu.dma_semaphore, #tpu.memory_space<semaphore_mem>>) src(%dma_wait3A_150 : memref<1000448xf32, #tpu.memory_space<hbm>>) dst(%dma_wait3A_145 : memref<128xf32, #tpu.memory_space<vmem>>)
    %dma_wait3A_151 = arith.constant 0 : i32
    %dma_wait3A_152 = arith.constant 0 : i32
    %dma_wait3A_153 = arith.constant 0 : i32
    %dma_wait3A_154 = tpu.memref_slice %arg11[%dma_wait3A_152, %dma_wait3A_153] : memref<4x128xf32, #tpu.memory_space<vmem>> -> memref<1x128xf32, #tpu.memory_space<vmem>>
    %dma_wait3A_155 = tpu.memref_squeeze %dma_wait3A_154 : memref<1x128xf32, #tpu.memory_space<vmem>> -> memref<128xf32, #tpu.memory_space<vmem>>
    %dma_wait3A_156 = arith.constant 0 : i32
    %dma_wait3A_157 = tpu.memref_slice %arg9[%dma_wait3A_151, %dma_wait3A_156] : memref<4x128xi32, #tpu.memory_space<vmem>> -> memref<1x128xi32, #tpu.memory_space<vmem>>
    %dma_wait3A_158 = tpu.memref_squeeze %dma_wait3A_157 : memref<1x128xi32, #tpu.memory_space<vmem>> -> memref<128xi32, #tpu.memory_space<vmem>>
    %dma_wait3A_159 = arith.constant 0 : i32
    %dma_wait3A_160 = tpu.memref_slice %arg3[%dma_wait3A_159] : memref<100352xf32, #tpu.memory_space<hbm>> -> memref<100352xf32, #tpu.memory_space<hbm>>
    tpu.wait_indirect_dma semaphore(%arg13 : memref<!tpu.dma_semaphore, #tpu.memory_space<semaphore_mem>>) src(%dma_wait3A_160 : memref<100352xf32, #tpu.memory_space<hbm>>) dst(%dma_wait3A_155 : memref<128xf32, #tpu.memory_space<vmem>>)
    %dma_wait3A_161 = arith.constant 1 : i32
    %dma_wait3A_162 = arith.constant 1 : i32
    %dma_wait3A_163 = arith.constant 0 : i32
    %dma_wait3A_164 = tpu.memref_slice %arg11[%dma_wait3A_162, %dma_wait3A_163] : memref<4x128xf32, #tpu.memory_space<vmem>> -> memref<1x128xf32, #tpu.memory_space<vmem>>
    %dma_wait3A_165 = tpu.memref_squeeze %dma_wait3A_164 : memref<1x128xf32, #tpu.memory_space<vmem>> -> memref<128xf32, #tpu.memory_space<vmem>>
    %dma_wait3A_166 = arith.constant 0 : i32
    %dma_wait3A_167 = tpu.memref_slice %arg9[%dma_wait3A_161, %dma_wait3A_166] : memref<4x128xi32, #tpu.memory_space<vmem>> -> memref<1x128xi32, #tpu.memory_space<vmem>>
    %dma_wait3A_168 = tpu.memref_squeeze %dma_wait3A_167 : memref<1x128xi32, #tpu.memory_space<vmem>> -> memref<128xi32, #tpu.memory_space<vmem>>
    %dma_wait3A_169 = arith.constant 0 : i32
    %dma_wait3A_170 = tpu.memref_slice %arg3[%dma_wait3A_169] : memref<100352xf32, #tpu.memory_space<hbm>> -> memref<100352xf32, #tpu.memory_space<hbm>>
    tpu.wait_indirect_dma semaphore(%arg13 : memref<!tpu.dma_semaphore, #tpu.memory_space<semaphore_mem>>) src(%dma_wait3A_170 : memref<100352xf32, #tpu.memory_space<hbm>>) dst(%dma_wait3A_165 : memref<128xf32, #tpu.memory_space<vmem>>)
    %dma_wait3A_171 = arith.constant 2 : i32
    %dma_wait3A_172 = arith.constant 2 : i32
    %dma_wait3A_173 = arith.constant 0 : i32
    %dma_wait3A_174 = tpu.memref_slice %arg11[%dma_wait3A_172, %dma_wait3A_173] : memref<4x128xf32, #tpu.memory_space<vmem>> -> memref<1x128xf32, #tpu.memory_space<vmem>>
    %dma_wait3A_175 = tpu.memref_squeeze %dma_wait3A_174 : memref<1x128xf32, #tpu.memory_space<vmem>> -> memref<128xf32, #tpu.memory_space<vmem>>
    %dma_wait3A_176 = arith.constant 0 : i32
    %dma_wait3A_177 = tpu.memref_slice %arg9[%dma_wait3A_171, %dma_wait3A_176] : memref<4x128xi32, #tpu.memory_space<vmem>> -> memref<1x128xi32, #tpu.memory_space<vmem>>
    %dma_wait3A_178 = tpu.memref_squeeze %dma_wait3A_177 : memref<1x128xi32, #tpu.memory_space<vmem>> -> memref<128xi32, #tpu.memory_space<vmem>>
    %dma_wait3A_179 = arith.constant 0 : i32
    %dma_wait3A_180 = tpu.memref_slice %arg3[%dma_wait3A_179] : memref<100352xf32, #tpu.memory_space<hbm>> -> memref<100352xf32, #tpu.memory_space<hbm>>
    tpu.wait_indirect_dma semaphore(%arg13 : memref<!tpu.dma_semaphore, #tpu.memory_space<semaphore_mem>>) src(%dma_wait3A_180 : memref<100352xf32, #tpu.memory_space<hbm>>) dst(%dma_wait3A_175 : memref<128xf32, #tpu.memory_space<vmem>>)
    %dma_wait3A_181 = arith.constant 3 : i32
    %dma_wait3A_182 = arith.constant 3 : i32
    %dma_wait3A_183 = arith.constant 0 : i32
    %dma_wait3A_184 = tpu.memref_slice %arg11[%dma_wait3A_182, %dma_wait3A_183] : memref<4x128xf32, #tpu.memory_space<vmem>> -> memref<1x128xf32, #tpu.memory_space<vmem>>
    %dma_wait3A_185 = tpu.memref_squeeze %dma_wait3A_184 : memref<1x128xf32, #tpu.memory_space<vmem>> -> memref<128xf32, #tpu.memory_space<vmem>>
    %dma_wait3A_186 = arith.constant 0 : i32
    %dma_wait3A_187 = tpu.memref_slice %arg9[%dma_wait3A_181, %dma_wait3A_186] : memref<4x128xi32, #tpu.memory_space<vmem>> -> memref<1x128xi32, #tpu.memory_space<vmem>>
    %dma_wait3A_188 = tpu.memref_squeeze %dma_wait3A_187 : memref<1x128xi32, #tpu.memory_space<vmem>> -> memref<128xi32, #tpu.memory_space<vmem>>
    %dma_wait3A_189 = arith.constant 0 : i32
    %dma_wait3A_190 = tpu.memref_slice %arg3[%dma_wait3A_189] : memref<100352xf32, #tpu.memory_space<hbm>> -> memref<100352xf32, #tpu.memory_space<hbm>>
    tpu.wait_indirect_dma semaphore(%arg13 : memref<!tpu.dma_semaphore, #tpu.memory_space<semaphore_mem>>) src(%dma_wait3A_190 : memref<100352xf32, #tpu.memory_space<hbm>>) dst(%dma_wait3A_185 : memref<128xf32, #tpu.memory_space<vmem>>)
    %get3A = arith.constant 0 : index
    %get3A_191 = tpu.vector_load %arg12[%get3A] {strides = array<i32>} : memref<16xf32, #tpu.memory_space<vmem>>, vector<16xf32>,
    %get3A_192 = vector.shape_cast %get3A_191 : vector<16xf32> to vector<16xf32>
    %get3A_193 = arith.constant 0 : i32
    %get3A_194 = arith.index_cast %get3A_193 : i32 to index
    %get3A_195 = arith.constant 0 : index
    %get3A_196 = tpu.vector_load %arg10[%get3A_194, %get3A_195] {strides = array<i32>} : memref<4x128xf32, #tpu.memory_space<vmem>>, vector<1x16xf32>,
    %get3A_197 = vector.shape_cast %get3A_196 : vector<1x16xf32> to vector<16xf32>
    %get3A_198 = arith.constant 0 : i32
    %get3A_199 = arith.index_cast %get3A_198 : i32 to index
    %get3A_200 = arith.constant 0 : index
    %get3A_201 = tpu.vector_load %arg11[%get3A_199, %get3A_200] {strides = array<i32>} : memref<4x128xf32, #tpu.memory_space<vmem>>, vector<1x16xf32>,
    %get3A_202 = vector.shape_cast %get3A_201 : vector<1x16xf32> to vector<16xf32>
    %add3A_203 = arith.addf %get3A_197, %get3A_202 : vector<16xf32>
    %add3A_204 = arith.addf %add3A_203, %get3A_192 : vector<16xf32>
    %swap3A = arith.constant 0 : i32
    %swap3A_205 = arith.index_cast %swap3A : i32 to index
    %swap3A_206 = arith.constant 0 : index
    %swap3A_207 = tpu.vector_load %arg10[%swap3A_205, %swap3A_206] {strides = array<i32>} : memref<4x128xf32, #tpu.memory_space<vmem>>, vector<1x16xf32>,
    %swap3A_208 = vector.shape_cast %swap3A_207 : vector<1x16xf32> to vector<16xf32>
    %swap3A_209 = vector.shape_cast %add3A_204 : vector<16xf32> to vector<1x16xf32>
    tpu.vector_store %arg10[%swap3A_205, %swap3A_206], %swap3A_209 {strides = array<i32>} : memref<4x128xf32, #tpu.memory_space<vmem>>, vector<1x16xf32>,
    %get3A_210 = arith.constant 0 : i32
    %get3A_211 = arith.index_cast %get3A_210 : i32 to index
    %get3A_212 = arith.constant 16 : index
    %get3A_213 = tpu.vector_load %arg10[%get3A_211, %get3A_212] {strides = array<i32>} : memref<4x128xf32, #tpu.memory_space<vmem>>, vector<1x16xf32>,
    %get3A_214 = vector.shape_cast %get3A_213 : vector<1x16xf32> to vector<16xf32>
    %get3A_215 = arith.constant 0 : i32
    %get3A_216 = arith.index_cast %get3A_215 : i32 to index
    %get3A_217 = arith.constant 16 : index
    %get3A_218 = tpu.vector_load %arg11[%get3A_216, %get3A_217] {strides = array<i32>} : memref<4x128xf32, #tpu.memory_space<vmem>>, vector<1x16xf32>,
    %get3A_219 = vector.shape_cast %get3A_218 : vector<1x16xf32> to vector<16xf32>
    %add3A_220 = arith.addf %get3A_214, %get3A_219 : vector<16xf32>
    %add3A_221 = arith.addf %add3A_220, %get3A_192 : vector<16xf32>
    %swap3A_222 = arith.constant 0 : i32
    %swap3A_223 = arith.index_cast %swap3A_222 : i32 to index
    %swap3A_224 = arith.constant 16 : index
    %swap3A_225 = tpu.vector_load %arg10[%swap3A_223, %swap3A_224] {strides = array<i32>} : memref<4x128xf32, #tpu.memory_space<vmem>>, vector<1x16xf32>,
    %swap3A_226 = vector.shape_cast %swap3A_225 : vector<1x16xf32> to vector<16xf32>
    %swap3A_227 = vector.shape_cast %add3A_221 : vector<16xf32> to vector<1x16xf32>
    tpu.vector_store %arg10[%swap3A_223, %swap3A_224], %swap3A_227 {strides = array<i32>} : memref<4x128xf32, #tpu.memory_space<vmem>>, vector<1x16xf32>,
    %get3A_228 = arith.constant 0 : i32
    %get3A_229 = arith.index_cast %get3A_228 : i32 to index
    %get3A_230 = arith.constant 32 : index
    %get3A_231 = tpu.vector_load %arg10[%get3A_229, %get3A_230] {strides = array<i32>} : memref<4x128xf32, #tpu.memory_space<vmem>>, vector<1x16xf32>,
    %get3A_232 = vector.shape_cast %get3A_231 : vector<1x16xf32> to vector<16xf32>
    %get3A_233 = arith.constant 0 : i32
    %get3A_234 = arith.index_cast %get3A_233 : i32 to index
    %get3A_235 = arith.constant 32 : index
    %get3A_236 = tpu.vector_load %arg11[%get3A_234, %get3A_235] {strides = array<i32>} : memref<4x128xf32, #tpu.memory_space<vmem>>, vector<1x16xf32>,
    %get3A_237 = vector.shape_cast %get3A_236 : vector<1x16xf32> to vector<16xf32>
    %add3A_238 = arith.addf %get3A_232, %get3A_237 : vector<16xf32>
    %add3A_239 = arith.addf %add3A_238, %get3A_192 : vector<16xf32>
    %swap3A_240 = arith.constant 0 : i32
    %swap3A_241 = arith.index_cast %swap3A_240 : i32 to index
    %swap3A_242 = arith.constant 32 : index
    %swap3A_243 = tpu.vector_load %arg10[%swap3A_241, %swap3A_242] {strides = array<i32>} : memref<4x128xf32, #tpu.memory_space<vmem>>, vector<1x16xf32>,
    %swap3A_244 = vector.shape_cast %swap3A_243 : vector<1x16xf32> to vector<16xf32>
    %swap3A_245 = vector.shape_cast %add3A_239 : vector<16xf32> to vector<1x16xf32>
    tpu.vector_store %arg10[%swap3A_241, %swap3A_242], %swap3A_245 {strides = array<i32>} : memref<4x128xf32, #tpu.memory_space<vmem>>, vector<1x16xf32>,
    %get3A_246 = arith.constant 0 : i32
    %get3A_247 = arith.index_cast %get3A_246 : i32 to index
    %get3A_248 = arith.constant 48 : index
    %get3A_249 = tpu.vector_load %arg10[%get3A_247, %get3A_248] {strides = array<i32>} : memref<4x128xf32, #tpu.memory_space<vmem>>, vector<1x16xf32>,
    %get3A_250 = vector.shape_cast %get3A_249 : vector<1x16xf32> to vector<16xf32>
    %get3A_251 = arith.constant 0 : i32
    %get3A_252 = arith.index_cast %get3A_251 : i32 to index
    %get3A_253 = arith.constant 48 : index
    %get3A_254 = tpu.vector_load %arg11[%get3A_252, %get3A_253] {strides = array<i32>} : memref<4x128xf32, #tpu.memory_space<vmem>>, vector<1x16xf32>,
    %get3A_255 = vector.shape_cast %get3A_254 : vector<1x16xf32> to vector<16xf32>
    %add3A_256 = arith.addf %get3A_250, %get3A_255 : vector<16xf32>
    %add3A_257 = arith.addf %add3A_256, %get3A_192 : vector<16xf32>
    %swap3A_258 = arith.constant 0 : i32
    %swap3A_259 = arith.index_cast %swap3A_258 : i32 to index
    %swap3A_260 = arith.constant 48 : index
    %swap3A_261 = tpu.vector_load %arg10[%swap3A_259, %swap3A_260] {strides = array<i32>} : memref<4x128xf32, #tpu.memory_space<vmem>>, vector<1x16xf32>,
    %swap3A_262 = vector.shape_cast %swap3A_261 : vector<1x16xf32> to vector<16xf32>
    %swap3A_263 = vector.shape_cast %add3A_257 : vector<16xf32> to vector<1x16xf32>
    tpu.vector_store %arg10[%swap3A_259, %swap3A_260], %swap3A_263 {strides = array<i32>} : memref<4x128xf32, #tpu.memory_space<vmem>>, vector<1x16xf32>,
    %get3A_264 = arith.constant 0 : i32
    %get3A_265 = arith.index_cast %get3A_264 : i32 to index
    %get3A_266 = arith.constant 64 : index
    %get3A_267 = tpu.vector_load %arg10[%get3A_265, %get3A_266] {strides = array<i32>} : memref<4x128xf32, #tpu.memory_space<vmem>>, vector<1x16xf32>,
    %get3A_268 = vector.shape_cast %get3A_267 : vector<1x16xf32> to vector<16xf32>
    %get3A_269 = arith.constant 0 : i32
    %get3A_270 = arith.index_cast %get3A_269 : i32 to index
    %get3A_271 = arith.constant 64 : index
    %get3A_272 = tpu.vector_load %arg11[%get3A_270, %get3A_271] {strides = array<i32>} : memref<4x128xf32, #tpu.memory_space<vmem>>, vector<1x16xf32>,
    %get3A_273 = vector.shape_cast %get3A_272 : vector<1x16xf32> to vector<16xf32>
    %add3A_274 = arith.addf %get3A_268, %get3A_273 : vector<16xf32>
    %add3A_275 = arith.addf %add3A_274, %get3A_192 : vector<16xf32>
    %swap3A_276 = arith.constant 0 : i32
    %swap3A_277 = arith.index_cast %swap3A_276 : i32 to index
    %swap3A_278 = arith.constant 64 : index
    %swap3A_279 = tpu.vector_load %arg10[%swap3A_277, %swap3A_278] {strides = array<i32>} : memref<4x128xf32, #tpu.memory_space<vmem>>, vector<1x16xf32>,
    %swap3A_280 = vector.shape_cast %swap3A_279 : vector<1x16xf32> to vector<16xf32>
    %swap3A_281 = vector.shape_cast %add3A_275 : vector<16xf32> to vector<1x16xf32>
    tpu.vector_store %arg10[%swap3A_277, %swap3A_278], %swap3A_281 {strides = array<i32>} : memref<4x128xf32, #tpu.memory_space<vmem>>, vector<1x16xf32>,
    %get3A_282 = arith.constant 0 : i32
    %get3A_283 = arith.index_cast %get3A_282 : i32 to index
    %get3A_284 = arith.constant 80 : index
    %get3A_285 = tpu.vector_load %arg10[%get3A_283, %get3A_284] {strides = array<i32>} : memref<4x128xf32, #tpu.memory_space<vmem>>, vector<1x16xf32>,
    %get3A_286 = vector.shape_cast %get3A_285 : vector<1x16xf32> to vector<16xf32>
    %get3A_287 = arith.constant 0 : i32
    %get3A_288 = arith.index_cast %get3A_287 : i32 to index
    %get3A_289 = arith.constant 80 : index
    %get3A_290 = tpu.vector_load %arg11[%get3A_288, %get3A_289] {strides = array<i32>} : memref<4x128xf32, #tpu.memory_space<vmem>>, vector<1x16xf32>,
    %get3A_291 = vector.shape_cast %get3A_290 : vector<1x16xf32> to vector<16xf32>
    %add3A_292 = arith.addf %get3A_286, %get3A_291 : vector<16xf32>
    %add3A_293 = arith.addf %add3A_292, %get3A_192 : vector<16xf32>
    %swap3A_294 = arith.constant 0 : i32
    %swap3A_295 = arith.index_cast %swap3A_294 : i32 to index
    %swap3A_296 = arith.constant 80 : index
    %swap3A_297 = tpu.vector_load %arg10[%swap3A_295, %swap3A_296] {strides = array<i32>} : memref<4x128xf32, #tpu.memory_space<vmem>>, vector<1x16xf32>,
    %swap3A_298 = vector.shape_cast %swap3A_297 : vector<1x16xf32> to vector<16xf32>
    %swap3A_299 = vector.shape_cast %add3A_293 : vector<16xf32> to vector<1x16xf32>
    tpu.vector_store %arg10[%swap3A_295, %swap3A_296], %swap3A_299 {strides = array<i32>} : memref<4x128xf32, #tpu.memory_space<vmem>>, vector<1x16xf32>,
    %get3A_300 = arith.constant 0 : i32
    %get3A_301 = arith.index_cast %get3A_300 : i32 to index
    %get3A_302 = arith.constant 96 : index
    %get3A_303 = tpu.vector_load %arg10[%get3A_301, %get3A_302] {strides = array<i32>} : memref<4x128xf32, #tpu.memory_space<vmem>>, vector<1x16xf32>,
    %get3A_304 = vector.shape_cast %get3A_303 : vector<1x16xf32> to vector<16xf32>
    %get3A_305 = arith.constant 0 : i32
    %get3A_306 = arith.index_cast %get3A_305 : i32 to index
    %get3A_307 = arith.constant 96 : index
    %get3A_308 = tpu.vector_load %arg11[%get3A_306, %get3A_307] {strides = array<i32>} : memref<4x128xf32, #tpu.memory_space<vmem>>, vector<1x16xf32>,
    %get3A_309 = vector.shape_cast %get3A_308 : vector<1x16xf32> to vector<16xf32>
    %add3A_310 = arith.addf %get3A_304, %get3A_309 : vector<16xf32>
    %add3A_311 = arith.addf %add3A_310, %get3A_192 : vector<16xf32>
    %swap3A_312 = arith.constant 0 : i32
    %swap3A_313 = arith.index_cast %swap3A_312 : i32 to index
    %swap3A_314 = arith.constant 96 : index
    %swap3A_315 = tpu.vector_load %arg10[%swap3A_313, %swap3A_314] {strides = array<i32>} : memref<4x128xf32, #tpu.memory_space<vmem>>, vector<1x16xf32>,
    %swap3A_316 = vector.shape_cast %swap3A_315 : vector<1x16xf32> to vector<16xf32>
    %swap3A_317 = vector.shape_cast %add3A_311 : vector<16xf32> to vector<1x16xf32>
    tpu.vector_store %arg10[%swap3A_313, %swap3A_314], %swap3A_317 {strides = array<i32>} : memref<4x128xf32, #tpu.memory_space<vmem>>, vector<1x16xf32>,
    %get3A_318 = arith.constant 0 : i32
    %get3A_319 = arith.index_cast %get3A_318 : i32 to index
    %get3A_320 = arith.constant 112 : index
    %get3A_321 = tpu.vector_load %arg10[%get3A_319, %get3A_320] {strides = array<i32>} : memref<4x128xf32, #tpu.memory_space<vmem>>, vector<1x16xf32>,
    %get3A_322 = vector.shape_cast %get3A_321 : vector<1x16xf32> to vector<16xf32>
    %get3A_323 = arith.constant 0 : i32
    %get3A_324 = arith.index_cast %get3A_323 : i32 to index
    %get3A_325 = arith.constant 112 : index
    %get3A_326 = tpu.vector_load %arg11[%get3A_324, %get3A_325] {strides = array<i32>} : memref<4x128xf32, #tpu.memory_space<vmem>>, vector<1x16xf32>,
    %get3A_327 = vector.shape_cast %get3A_326 : vector<1x16xf32> to vector<16xf32>
    %add3A_328 = arith.addf %get3A_322, %get3A_327 : vector<16xf32>
    %add3A_329 = arith.addf %add3A_328, %get3A_192 : vector<16xf32>
    %swap3A_330 = arith.constant 0 : i32
    %swap3A_331 = arith.index_cast %swap3A_330 : i32 to index
    %swap3A_332 = arith.constant 112 : index
    %swap3A_333 = tpu.vector_load %arg10[%swap3A_331, %swap3A_332] {strides = array<i32>} : memref<4x128xf32, #tpu.memory_space<vmem>>, vector<1x16xf32>,
    %swap3A_334 = vector.shape_cast %swap3A_333 : vector<1x16xf32> to vector<16xf32>
    %swap3A_335 = vector.shape_cast %add3A_329 : vector<16xf32> to vector<1x16xf32>
    tpu.vector_store %arg10[%swap3A_331, %swap3A_332], %swap3A_335 {strides = array<i32>} : memref<4x128xf32, #tpu.memory_space<vmem>>, vector<1x16xf32>,
    %get3A_336 = arith.constant 1 : i32
    %get3A_337 = arith.index_cast %get3A_336 : i32 to index
    %get3A_338 = arith.constant 0 : index
    %get3A_339 = tpu.vector_load %arg10[%get3A_337, %get3A_338] {strides = array<i32>} : memref<4x128xf32, #tpu.memory_space<vmem>>, vector<1x16xf32>,
    %get3A_340 = vector.shape_cast %get3A_339 : vector<1x16xf32> to vector<16xf32>
    %get3A_341 = arith.constant 1 : i32
    %get3A_342 = arith.index_cast %get3A_341 : i32 to index
    %get3A_343 = arith.constant 0 : index
    %get3A_344 = tpu.vector_load %arg11[%get3A_342, %get3A_343] {strides = array<i32>} : memref<4x128xf32, #tpu.memory_space<vmem>>, vector<1x16xf32>,
    %get3A_345 = vector.shape_cast %get3A_344 : vector<1x16xf32> to vector<16xf32>
    %add3A_346 = arith.addf %get3A_340, %get3A_345 : vector<16xf32>
    %add3A_347 = arith.addf %add3A_346, %get3A_192 : vector<16xf32>
    %swap3A_348 = arith.constant 1 : i32
    %swap3A_349 = arith.index_cast %swap3A_348 : i32 to index
    %swap3A_350 = arith.constant 0 : index
    %swap3A_351 = tpu.vector_load %arg10[%swap3A_349, %swap3A_350] {strides = array<i32>} : memref<4x128xf32, #tpu.memory_space<vmem>>, vector<1x16xf32>,
    %swap3A_352 = vector.shape_cast %swap3A_351 : vector<1x16xf32> to vector<16xf32>
    %swap3A_353 = vector.shape_cast %add3A_347 : vector<16xf32> to vector<1x16xf32>
    tpu.vector_store %arg10[%swap3A_349, %swap3A_350], %swap3A_353 {strides = array<i32>} : memref<4x128xf32, #tpu.memory_space<vmem>>, vector<1x16xf32>,
    %get3A_354 = arith.constant 1 : i32
    %get3A_355 = arith.index_cast %get3A_354 : i32 to index
    %get3A_356 = arith.constant 16 : index
    %get3A_357 = tpu.vector_load %arg10[%get3A_355, %get3A_356] {strides = array<i32>} : memref<4x128xf32, #tpu.memory_space<vmem>>, vector<1x16xf32>,
    %get3A_358 = vector.shape_cast %get3A_357 : vector<1x16xf32> to vector<16xf32>
    %get3A_359 = arith.constant 1 : i32
    %get3A_360 = arith.index_cast %get3A_359 : i32 to index
    %get3A_361 = arith.constant 16 : index
    %get3A_362 = tpu.vector_load %arg11[%get3A_360, %get3A_361] {strides = array<i32>} : memref<4x128xf32, #tpu.memory_space<vmem>>, vector<1x16xf32>,
    %get3A_363 = vector.shape_cast %get3A_362 : vector<1x16xf32> to vector<16xf32>
    %add3A_364 = arith.addf %get3A_358, %get3A_363 : vector<16xf32>
    %add3A_365 = arith.addf %add3A_364, %get3A_192 : vector<16xf32>
    %swap3A_366 = arith.constant 1 : i32
    %swap3A_367 = arith.index_cast %swap3A_366 : i32 to index
    %swap3A_368 = arith.constant 16 : index
    %swap3A_369 = tpu.vector_load %arg10[%swap3A_367, %swap3A_368] {strides = array<i32>} : memref<4x128xf32, #tpu.memory_space<vmem>>, vector<1x16xf32>,
    %swap3A_370 = vector.shape_cast %swap3A_369 : vector<1x16xf32> to vector<16xf32>
    %swap3A_371 = vector.shape_cast %add3A_365 : vector<16xf32> to vector<1x16xf32>
    tpu.vector_store %arg10[%swap3A_367, %swap3A_368], %swap3A_371 {strides = array<i32>} : memref<4x128xf32, #tpu.memory_space<vmem>>, vector<1x16xf32>,
    %get3A_372 = arith.constant 1 : i32
    %get3A_373 = arith.index_cast %get3A_372 : i32 to index
    %get3A_374 = arith.constant 32 : index
    %get3A_375 = tpu.vector_load %arg10[%get3A_373, %get3A_374] {strides = array<i32>} : memref<4x128xf32, #tpu.memory_space<vmem>>, vector<1x16xf32>,
    %get3A_376 = vector.shape_cast %get3A_375 : vector<1x16xf32> to vector<16xf32>
    %get3A_377 = arith.constant 1 : i32
    %get3A_378 = arith.index_cast %get3A_377 : i32 to index
    %get3A_379 = arith.constant 32 : index
    %get3A_380 = tpu.vector_load %arg11[%get3A_378, %get3A_379] {strides = array<i32>} : memref<4x128xf32, #tpu.memory_space<vmem>>, vector<1x16xf32>,
    %get3A_381 = vector.shape_cast %get3A_380 : vector<1x16xf32> to vector<16xf32>
    %add3A_382 = arith.addf %get3A_376, %get3A_381 : vector<16xf32>
    %add3A_383 = arith.addf %add3A_382, %get3A_192 : vector<16xf32>
    %swap3A_384 = arith.constant 1 : i32
    %swap3A_385 = arith.index_cast %swap3A_384 : i32 to index
    %swap3A_386 = arith.constant 32 : index
    %swap3A_387 = tpu.vector_load %arg10[%swap3A_385, %swap3A_386] {strides = array<i32>} : memref<4x128xf32, #tpu.memory_space<vmem>>, vector<1x16xf32>,
    %swap3A_388 = vector.shape_cast %swap3A_387 : vector<1x16xf32> to vector<16xf32>
    %swap3A_389 = vector.shape_cast %add3A_383 : vector<16xf32> to vector<1x16xf32>
    tpu.vector_store %arg10[%swap3A_385, %swap3A_386], %swap3A_389 {strides = array<i32>} : memref<4x128xf32, #tpu.memory_space<vmem>>, vector<1x16xf32>,
    %get3A_390 = arith.constant 1 : i32
    %get3A_391 = arith.index_cast %get3A_390 : i32 to index
    %get3A_392 = arith.constant 48 : index
    %get3A_393 = tpu.vector_load %arg10[%get3A_391, %get3A_392] {strides = array<i32>} : memref<4x128xf32, #tpu.memory_space<vmem>>, vector<1x16xf32>,
    %get3A_394 = vector.shape_cast %get3A_393 : vector<1x16xf32> to vector<16xf32>
    %get3A_395 = arith.constant 1 : i32
    %get3A_396 = arith.index_cast %get3A_395 : i32 to index
    %get3A_397 = arith.constant 48 : index
    %get3A_398 = tpu.vector_load %arg11[%get3A_396, %get3A_397] {strides = array<i32>} : memref<4x128xf32, #tpu.memory_space<vmem>>, vector<1x16xf32>,
    %get3A_399 = vector.shape_cast %get3A_398 : vector<1x16xf32> to vector<16xf32>
    %add3A_400 = arith.addf %get3A_394, %get3A_399 : vector<16xf32>
    %add3A_401 = arith.addf %add3A_400, %get3A_192 : vector<16xf32>
    %swap3A_402 = arith.constant 1 : i32
    %swap3A_403 = arith.index_cast %swap3A_402 : i32 to index
    %swap3A_404 = arith.constant 48 : index
    %swap3A_405 = tpu.vector_load %arg10[%swap3A_403, %swap3A_404] {strides = array<i32>} : memref<4x128xf32, #tpu.memory_space<vmem>>, vector<1x16xf32>,
    %swap3A_406 = vector.shape_cast %swap3A_405 : vector<1x16xf32> to vector<16xf32>
    %swap3A_407 = vector.shape_cast %add3A_401 : vector<16xf32> to vector<1x16xf32>
    tpu.vector_store %arg10[%swap3A_403, %swap3A_404], %swap3A_407 {strides = array<i32>} : memref<4x128xf32, #tpu.memory_space<vmem>>, vector<1x16xf32>,
    %get3A_408 = arith.constant 1 : i32
    %get3A_409 = arith.index_cast %get3A_408 : i32 to index
    %get3A_410 = arith.constant 64 : index
    %get3A_411 = tpu.vector_load %arg10[%get3A_409, %get3A_410] {strides = array<i32>} : memref<4x128xf32, #tpu.memory_space<vmem>>, vector<1x16xf32>,
    %get3A_412 = vector.shape_cast %get3A_411 : vector<1x16xf32> to vector<16xf32>
    %get3A_413 = arith.constant 1 : i32
    %get3A_414 = arith.index_cast %get3A_413 : i32 to index
    %get3A_415 = arith.constant 64 : index
    %get3A_416 = tpu.vector_load %arg11[%get3A_414, %get3A_415] {strides = array<i32>} : memref<4x128xf32, #tpu.memory_space<vmem>>, vector<1x16xf32>,
    %get3A_417 = vector.shape_cast %get3A_416 : vector<1x16xf32> to vector<16xf32>
    %add3A_418 = arith.addf %get3A_412, %get3A_417 : vector<16xf32>
    %add3A_419 = arith.addf %add3A_418, %get3A_192 : vector<16xf32>
    %swap3A_420 = arith.constant 1 : i32
    %swap3A_421 = arith.index_cast %swap3A_420 : i32 to index
    %swap3A_422 = arith.constant 64 : index
    %swap3A_423 = tpu.vector_load %arg10[%swap3A_421, %swap3A_422] {strides = array<i32>} : memref<4x128xf32, #tpu.memory_space<vmem>>, vector<1x16xf32>,
    %swap3A_424 = vector.shape_cast %swap3A_423 : vector<1x16xf32> to vector<16xf32>
    %swap3A_425 = vector.shape_cast %add3A_419 : vector<16xf32> to vector<1x16xf32>
    tpu.vector_store %arg10[%swap3A_421, %swap3A_422], %swap3A_425 {strides = array<i32>} : memref<4x128xf32, #tpu.memory_space<vmem>>, vector<1x16xf32>,
    %get3A_426 = arith.constant 1 : i32
    %get3A_427 = arith.index_cast %get3A_426 : i32 to index
    %get3A_428 = arith.constant 80 : index
    %get3A_429 = tpu.vector_load %arg10[%get3A_427, %get3A_428] {strides = array<i32>} : memref<4x128xf32, #tpu.memory_space<vmem>>, vector<1x16xf32>,
    %get3A_430 = vector.shape_cast %get3A_429 : vector<1x16xf32> to vector<16xf32>
    %get3A_431 = arith.constant 1 : i32
    %get3A_432 = arith.index_cast %get3A_431 : i32 to index
    %get3A_433 = arith.constant 80 : index
    %get3A_434 = tpu.vector_load %arg11[%get3A_432, %get3A_433] {strides = array<i32>} : memref<4x128xf32, #tpu.memory_space<vmem>>, vector<1x16xf32>,
    %get3A_435 = vector.shape_cast %get3A_434 : vector<1x16xf32> to vector<16xf32>
    %add3A_436 = arith.addf %get3A_430, %get3A_435 : vector<16xf32>
    %add3A_437 = arith.addf %add3A_436, %get3A_192 : vector<16xf32>
    %swap3A_438 = arith.constant 1 : i32
    %swap3A_439 = arith.index_cast %swap3A_438 : i32 to index
    %swap3A_440 = arith.constant 80 : index
    %swap3A_441 = tpu.vector_load %arg10[%swap3A_439, %swap3A_440] {strides = array<i32>} : memref<4x128xf32, #tpu.memory_space<vmem>>, vector<1x16xf32>,
    %swap3A_442 = vector.shape_cast %swap3A_441 : vector<1x16xf32> to vector<16xf32>
    %swap3A_443 = vector.shape_cast %add3A_437 : vector<16xf32> to vector<1x16xf32>
    tpu.vector_store %arg10[%swap3A_439, %swap3A_440], %swap3A_443 {strides = array<i32>} : memref<4x128xf32, #tpu.memory_space<vmem>>, vector<1x16xf32>,
    %get3A_444 = arith.constant 1 : i32
    %get3A_445 = arith.index_cast %get3A_444 : i32 to index
    %get3A_446 = arith.constant 96 : index
    %get3A_447 = tpu.vector_load %arg10[%get3A_445, %get3A_446] {strides = array<i32>} : memref<4x128xf32, #tpu.memory_space<vmem>>, vector<1x16xf32>,
    %get3A_448 = vector.shape_cast %get3A_447 : vector<1x16xf32> to vector<16xf32>
    %get3A_449 = arith.constant 1 : i32
    %get3A_450 = arith.index_cast %get3A_449 : i32 to index
    %get3A_451 = arith.constant 96 : index
    %get3A_452 = tpu.vector_load %arg11[%get3A_450, %get3A_451] {strides = array<i32>} : memref<4x128xf32, #tpu.memory_space<vmem>>, vector<1x16xf32>,
    %get3A_453 = vector.shape_cast %get3A_452 : vector<1x16xf32> to vector<16xf32>
    %add3A_454 = arith.addf %get3A_448, %get3A_453 : vector<16xf32>
    %add3A_455 = arith.addf %add3A_454, %get3A_192 : vector<16xf32>
    %swap3A_456 = arith.constant 1 : i32
    %swap3A_457 = arith.index_cast %swap3A_456 : i32 to index
    %swap3A_458 = arith.constant 96 : index
    %swap3A_459 = tpu.vector_load %arg10[%swap3A_457, %swap3A_458] {strides = array<i32>} : memref<4x128xf32, #tpu.memory_space<vmem>>, vector<1x16xf32>,
    %swap3A_460 = vector.shape_cast %swap3A_459 : vector<1x16xf32> to vector<16xf32>
    %swap3A_461 = vector.shape_cast %add3A_455 : vector<16xf32> to vector<1x16xf32>
    tpu.vector_store %arg10[%swap3A_457, %swap3A_458], %swap3A_461 {strides = array<i32>} : memref<4x128xf32, #tpu.memory_space<vmem>>, vector<1x16xf32>,
    %get3A_462 = arith.constant 1 : i32
    %get3A_463 = arith.index_cast %get3A_462 : i32 to index
    %get3A_464 = arith.constant 112 : index
    %get3A_465 = tpu.vector_load %arg10[%get3A_463, %get3A_464] {strides = array<i32>} : memref<4x128xf32, #tpu.memory_space<vmem>>, vector<1x16xf32>,
    %get3A_466 = vector.shape_cast %get3A_465 : vector<1x16xf32> to vector<16xf32>
    %get3A_467 = arith.constant 1 : i32
    %get3A_468 = arith.index_cast %get3A_467 : i32 to index
    %get3A_469 = arith.constant 112 : index
    %get3A_470 = tpu.vector_load %arg11[%get3A_468, %get3A_469] {strides = array<i32>} : memref<4x128xf32, #tpu.memory_space<vmem>>, vector<1x16xf32>,
    %get3A_471 = vector.shape_cast %get3A_470 : vector<1x16xf32> to vector<16xf32>
    %add3A_472 = arith.addf %get3A_466, %get3A_471 : vector<16xf32>
    %add3A_473 = arith.addf %add3A_472, %get3A_192 : vector<16xf32>
    %swap3A_474 = arith.constant 1 : i32
    %swap3A_475 = arith.index_cast %swap3A_474 : i32 to index
    %swap3A_476 = arith.constant 112 : index
    %swap3A_477 = tpu.vector_load %arg10[%swap3A_475, %swap3A_476] {strides = array<i32>} : memref<4x128xf32, #tpu.memory_space<vmem>>, vector<1x16xf32>,
    %swap3A_478 = vector.shape_cast %swap3A_477 : vector<1x16xf32> to vector<16xf32>
    %swap3A_479 = vector.shape_cast %add3A_473 : vector<16xf32> to vector<1x16xf32>
    tpu.vector_store %arg10[%swap3A_475, %swap3A_476], %swap3A_479 {strides = array<i32>} : memref<4x128xf32, #tpu.memory_space<vmem>>, vector<1x16xf32>,
    %get3A_480 = arith.constant 2 : i32
    %get3A_481 = arith.index_cast %get3A_480 : i32 to index
    %get3A_482 = arith.constant 0 : index
    %get3A_483 = tpu.vector_load %arg10[%get3A_481, %get3A_482] {strides = array<i32>} : memref<4x128xf32, #tpu.memory_space<vmem>>, vector<1x16xf32>,
    %get3A_484 = vector.shape_cast %get3A_483 : vector<1x16xf32> to vector<16xf32>
    %get3A_485 = arith.constant 2 : i32
    %get3A_486 = arith.index_cast %get3A_485 : i32 to index
    %get3A_487 = arith.constant 0 : index
    %get3A_488 = tpu.vector_load %arg11[%get3A_486, %get3A_487] {strides = array<i32>} : memref<4x128xf32, #tpu.memory_space<vmem>>, vector<1x16xf32>,
    %get3A_489 = vector.shape_cast %get3A_488 : vector<1x16xf32> to vector<16xf32>
    %add3A_490 = arith.addf %get3A_484, %get3A_489 : vector<16xf32>
    %add3A_491 = arith.addf %add3A_490, %get3A_192 : vector<16xf32>
    %swap3A_492 = arith.constant 2 : i32
    %swap3A_493 = arith.index_cast %swap3A_492 : i32 to index
    %swap3A_494 = arith.constant 0 : index
    %swap3A_495 = tpu.vector_load %arg10[%swap3A_493, %swap3A_494] {strides = array<i32>} : memref<4x128xf32, #tpu.memory_space<vmem>>, vector<1x16xf32>,
    %swap3A_496 = vector.shape_cast %swap3A_495 : vector<1x16xf32> to vector<16xf32>
    %swap3A_497 = vector.shape_cast %add3A_491 : vector<16xf32> to vector<1x16xf32>
    tpu.vector_store %arg10[%swap3A_493, %swap3A_494], %swap3A_497 {strides = array<i32>} : memref<4x128xf32, #tpu.memory_space<vmem>>, vector<1x16xf32>,
    %get3A_498 = arith.constant 2 : i32
    %get3A_499 = arith.index_cast %get3A_498 : i32 to index
    %get3A_500 = arith.constant 16 : index
    %get3A_501 = tpu.vector_load %arg10[%get3A_499, %get3A_500] {strides = array<i32>} : memref<4x128xf32, #tpu.memory_space<vmem>>, vector<1x16xf32>,
    %get3A_502 = vector.shape_cast %get3A_501 : vector<1x16xf32> to vector<16xf32>
    %get3A_503 = arith.constant 2 : i32
    %get3A_504 = arith.index_cast %get3A_503 : i32 to index
    %get3A_505 = arith.constant 16 : index
    %get3A_506 = tpu.vector_load %arg11[%get3A_504, %get3A_505] {strides = array<i32>} : memref<4x128xf32, #tpu.memory_space<vmem>>, vector<1x16xf32>,
    %get3A_507 = vector.shape_cast %get3A_506 : vector<1x16xf32> to vector<16xf32>
    %add3A_508 = arith.addf %get3A_502, %get3A_507 : vector<16xf32>
    %add3A_509 = arith.addf %add3A_508, %get3A_192 : vector<16xf32>
    %swap3A_510 = arith.constant 2 : i32
    %swap3A_511 = arith.index_cast %swap3A_510 : i32 to index
    %swap3A_512 = arith.constant 16 : index
    %swap3A_513 = tpu.vector_load %arg10[%swap3A_511, %swap3A_512] {strides = array<i32>} : memref<4x128xf32, #tpu.memory_space<vmem>>, vector<1x16xf32>,
    %swap3A_514 = vector.shape_cast %swap3A_513 : vector<1x16xf32> to vector<16xf32>
    %swap3A_515 = vector.shape_cast %add3A_509 : vector<16xf32> to vector<1x16xf32>
    tpu.vector_store %arg10[%swap3A_511, %swap3A_512], %swap3A_515 {strides = array<i32>} : memref<4x128xf32, #tpu.memory_space<vmem>>, vector<1x16xf32>,
    %get3A_516 = arith.constant 2 : i32
    %get3A_517 = arith.index_cast %get3A_516 : i32 to index
    %get3A_518 = arith.constant 32 : index
    %get3A_519 = tpu.vector_load %arg10[%get3A_517, %get3A_518] {strides = array<i32>} : memref<4x128xf32, #tpu.memory_space<vmem>>, vector<1x16xf32>,
    %get3A_520 = vector.shape_cast %get3A_519 : vector<1x16xf32> to vector<16xf32>
    %get3A_521 = arith.constant 2 : i32
    %get3A_522 = arith.index_cast %get3A_521 : i32 to index
    %get3A_523 = arith.constant 32 : index
    %get3A_524 = tpu.vector_load %arg11[%get3A_522, %get3A_523] {strides = array<i32>} : memref<4x128xf32, #tpu.memory_space<vmem>>, vector<1x16xf32>,
    %get3A_525 = vector.shape_cast %get3A_524 : vector<1x16xf32> to vector<16xf32>
    %add3A_526 = arith.addf %get3A_520, %get3A_525 : vector<16xf32>
    %add3A_527 = arith.addf %add3A_526, %get3A_192 : vector<16xf32>
    %swap3A_528 = arith.constant 2 : i32
    %swap3A_529 = arith.index_cast %swap3A_528 : i32 to index
    %swap3A_530 = arith.constant 32 : index
    %swap3A_531 = tpu.vector_load %arg10[%swap3A_529, %swap3A_530] {strides = array<i32>} : memref<4x128xf32, #tpu.memory_space<vmem>>, vector<1x16xf32>,
    %swap3A_532 = vector.shape_cast %swap3A_531 : vector<1x16xf32> to vector<16xf32>
    %swap3A_533 = vector.shape_cast %add3A_527 : vector<16xf32> to vector<1x16xf32>
    tpu.vector_store %arg10[%swap3A_529, %swap3A_530], %swap3A_533 {strides = array<i32>} : memref<4x128xf32, #tpu.memory_space<vmem>>, vector<1x16xf32>,
    %get3A_534 = arith.constant 2 : i32
    %get3A_535 = arith.index_cast %get3A_534 : i32 to index
    %get3A_536 = arith.constant 48 : index
    %get3A_537 = tpu.vector_load %arg10[%get3A_535, %get3A_536] {strides = array<i32>} : memref<4x128xf32, #tpu.memory_space<vmem>>, vector<1x16xf32>,
    %get3A_538 = vector.shape_cast %get3A_537 : vector<1x16xf32> to vector<16xf32>
    %get3A_539 = arith.constant 2 : i32
    %get3A_540 = arith.index_cast %get3A_539 : i32 to index
    %get3A_541 = arith.constant 48 : index
    %get3A_542 = tpu.vector_load %arg11[%get3A_540, %get3A_541] {strides = array<i32>} : memref<4x128xf32, #tpu.memory_space<vmem>>, vector<1x16xf32>,
    %get3A_543 = vector.shape_cast %get3A_542 : vector<1x16xf32> to vector<16xf32>
    %add3A_544 = arith.addf %get3A_538, %get3A_543 : vector<16xf32>
    %add3A_545 = arith.addf %add3A_544, %get3A_192 : vector<16xf32>
    %swap3A_546 = arith.constant 2 : i32
    %swap3A_547 = arith.index_cast %swap3A_546 : i32 to index
    %swap3A_548 = arith.constant 48 : index
    %swap3A_549 = tpu.vector_load %arg10[%swap3A_547, %swap3A_548] {strides = array<i32>} : memref<4x128xf32, #tpu.memory_space<vmem>>, vector<1x16xf32>,
    %swap3A_550 = vector.shape_cast %swap3A_549 : vector<1x16xf32> to vector<16xf32>
    %swap3A_551 = vector.shape_cast %add3A_545 : vector<16xf32> to vector<1x16xf32>
    tpu.vector_store %arg10[%swap3A_547, %swap3A_548], %swap3A_551 {strides = array<i32>} : memref<4x128xf32, #tpu.memory_space<vmem>>, vector<1x16xf32>,
    %get3A_552 = arith.constant 2 : i32
    %get3A_553 = arith.index_cast %get3A_552 : i32 to index
    %get3A_554 = arith.constant 64 : index
    %get3A_555 = tpu.vector_load %arg10[%get3A_553, %get3A_554] {strides = array<i32>} : memref<4x128xf32, #tpu.memory_space<vmem>>, vector<1x16xf32>,
    %get3A_556 = vector.shape_cast %get3A_555 : vector<1x16xf32> to vector<16xf32>
    %get3A_557 = arith.constant 2 : i32
    %get3A_558 = arith.index_cast %get3A_557 : i32 to index
    %get3A_559 = arith.constant 64 : index
    %get3A_560 = tpu.vector_load %arg11[%get3A_558, %get3A_559] {strides = array<i32>} : memref<4x128xf32, #tpu.memory_space<vmem>>, vector<1x16xf32>,
    %get3A_561 = vector.shape_cast %get3A_560 : vector<1x16xf32> to vector<16xf32>
    %add3A_562 = arith.addf %get3A_556, %get3A_561 : vector<16xf32>
    %add3A_563 = arith.addf %add3A_562, %get3A_192 : vector<16xf32>
    %swap3A_564 = arith.constant 2 : i32
    %swap3A_565 = arith.index_cast %swap3A_564 : i32 to index
    %swap3A_566 = arith.constant 64 : index
    %swap3A_567 = tpu.vector_load %arg10[%swap3A_565, %swap3A_566] {strides = array<i32>} : memref<4x128xf32, #tpu.memory_space<vmem>>, vector<1x16xf32>,
    %swap3A_568 = vector.shape_cast %swap3A_567 : vector<1x16xf32> to vector<16xf32>
    %swap3A_569 = vector.shape_cast %add3A_563 : vector<16xf32> to vector<1x16xf32>
    tpu.vector_store %arg10[%swap3A_565, %swap3A_566], %swap3A_569 {strides = array<i32>} : memref<4x128xf32, #tpu.memory_space<vmem>>, vector<1x16xf32>,
    %get3A_570 = arith.constant 2 : i32
    %get3A_571 = arith.index_cast %get3A_570 : i32 to index
    %get3A_572 = arith.constant 80 : index
    %get3A_573 = tpu.vector_load %arg10[%get3A_571, %get3A_572] {strides = array<i32>} : memref<4x128xf32, #tpu.memory_space<vmem>>, vector<1x16xf32>,
    %get3A_574 = vector.shape_cast %get3A_573 : vector<1x16xf32> to vector<16xf32>
    %get3A_575 = arith.constant 2 : i32
    %get3A_576 = arith.index_cast %get3A_575 : i32 to index
    %get3A_577 = arith.constant 80 : index
    %get3A_578 = tpu.vector_load %arg11[%get3A_576, %get3A_577] {strides = array<i32>} : memref<4x128xf32, #tpu.memory_space<vmem>>, vector<1x16xf32>,
    %get3A_579 = vector.shape_cast %get3A_578 : vector<1x16xf32> to vector<16xf32>
    %add3A_580 = arith.addf %get3A_574, %get3A_579 : vector<16xf32>
    %add3A_581 = arith.addf %add3A_580, %get3A_192 : vector<16xf32>
    %swap3A_582 = arith.constant 2 : i32
    %swap3A_583 = arith.index_cast %swap3A_582 : i32 to index
    %swap3A_584 = arith.constant 80 : index
    %swap3A_585 = tpu.vector_load %arg10[%swap3A_583, %swap3A_584] {strides = array<i32>} : memref<4x128xf32, #tpu.memory_space<vmem>>, vector<1x16xf32>,
    %swap3A_586 = vector.shape_cast %swap3A_585 : vector<1x16xf32> to vector<16xf32>
    %swap3A_587 = vector.shape_cast %add3A_581 : vector<16xf32> to vector<1x16xf32>
    tpu.vector_store %arg10[%swap3A_583, %swap3A_584], %swap3A_587 {strides = array<i32>} : memref<4x128xf32, #tpu.memory_space<vmem>>, vector<1x16xf32>,
    %get3A_588 = arith.constant 2 : i32
    %get3A_589 = arith.index_cast %get3A_588 : i32 to index
    %get3A_590 = arith.constant 96 : index
    %get3A_591 = tpu.vector_load %arg10[%get3A_589, %get3A_590] {strides = array<i32>} : memref<4x128xf32, #tpu.memory_space<vmem>>, vector<1x16xf32>,
    %get3A_592 = vector.shape_cast %get3A_591 : vector<1x16xf32> to vector<16xf32>
    %get3A_593 = arith.constant 2 : i32
    %get3A_594 = arith.index_cast %get3A_593 : i32 to index
    %get3A_595 = arith.constant 96 : index
    %get3A_596 = tpu.vector_load %arg11[%get3A_594, %get3A_595] {strides = array<i32>} : memref<4x128xf32, #tpu.memory_space<vmem>>, vector<1x16xf32>,
    %get3A_597 = vector.shape_cast %get3A_596 : vector<1x16xf32> to vector<16xf32>
    %add3A_598 = arith.addf %get3A_592, %get3A_597 : vector<16xf32>
    %add3A_599 = arith.addf %add3A_598, %get3A_192 : vector<16xf32>
    %swap3A_600 = arith.constant 2 : i32
    %swap3A_601 = arith.index_cast %swap3A_600 : i32 to index
    %swap3A_602 = arith.constant 96 : index
    %swap3A_603 = tpu.vector_load %arg10[%swap3A_601, %swap3A_602] {strides = array<i32>} : memref<4x128xf32, #tpu.memory_space<vmem>>, vector<1x16xf32>,
    %swap3A_604 = vector.shape_cast %swap3A_603 : vector<1x16xf32> to vector<16xf32>
    %swap3A_605 = vector.shape_cast %add3A_599 : vector<16xf32> to vector<1x16xf32>
    tpu.vector_store %arg10[%swap3A_601, %swap3A_602], %swap3A_605 {strides = array<i32>} : memref<4x128xf32, #tpu.memory_space<vmem>>, vector<1x16xf32>,
    %get3A_606 = arith.constant 2 : i32
    %get3A_607 = arith.index_cast %get3A_606 : i32 to index
    %get3A_608 = arith.constant 112 : index
    %get3A_609 = tpu.vector_load %arg10[%get3A_607, %get3A_608] {strides = array<i32>} : memref<4x128xf32, #tpu.memory_space<vmem>>, vector<1x16xf32>,
    %get3A_610 = vector.shape_cast %get3A_609 : vector<1x16xf32> to vector<16xf32>
    %get3A_611 = arith.constant 2 : i32
    %get3A_612 = arith.index_cast %get3A_611 : i32 to index
    %get3A_613 = arith.constant 112 : index
    %get3A_614 = tpu.vector_load %arg11[%get3A_612, %get3A_613] {strides = array<i32>} : memref<4x128xf32, #tpu.memory_space<vmem>>, vector<1x16xf32>,
    %get3A_615 = vector.shape_cast %get3A_614 : vector<1x16xf32> to vector<16xf32>
    %add3A_616 = arith.addf %get3A_610, %get3A_615 : vector<16xf32>
    %add3A_617 = arith.addf %add3A_616, %get3A_192 : vector<16xf32>
    %swap3A_618 = arith.constant 2 : i32
    %swap3A_619 = arith.index_cast %swap3A_618 : i32 to index
    %swap3A_620 = arith.constant 112 : index
    %swap3A_621 = tpu.vector_load %arg10[%swap3A_619, %swap3A_620] {strides = array<i32>} : memref<4x128xf32, #tpu.memory_space<vmem>>, vector<1x16xf32>,
    %swap3A_622 = vector.shape_cast %swap3A_621 : vector<1x16xf32> to vector<16xf32>
    %swap3A_623 = vector.shape_cast %add3A_617 : vector<16xf32> to vector<1x16xf32>
    tpu.vector_store %arg10[%swap3A_619, %swap3A_620], %swap3A_623 {strides = array<i32>} : memref<4x128xf32, #tpu.memory_space<vmem>>, vector<1x16xf32>,
    %get3A_624 = arith.constant 3 : i32
    %get3A_625 = arith.index_cast %get3A_624 : i32 to index
    %get3A_626 = arith.constant 0 : index
    %get3A_627 = tpu.vector_load %arg10[%get3A_625, %get3A_626] {strides = array<i32>} : memref<4x128xf32, #tpu.memory_space<vmem>>, vector<1x16xf32>,
    %get3A_628 = vector.shape_cast %get3A_627 : vector<1x16xf32> to vector<16xf32>
    %get3A_629 = arith.constant 3 : i32
    %get3A_630 = arith.index_cast %get3A_629 : i32 to index
    %get3A_631 = arith.constant 0 : index
    %get3A_632 = tpu.vector_load %arg11[%get3A_630, %get3A_631] {strides = array<i32>} : memref<4x128xf32, #tpu.memory_space<vmem>>, vector<1x16xf32>,
    %get3A_633 = vector.shape_cast %get3A_632 : vector<1x16xf32> to vector<16xf32>
    %add3A_634 = arith.addf %get3A_628, %get3A_633 : vector<16xf32>
    %add3A_635 = arith.addf %add3A_634, %get3A_192 : vector<16xf32>
    %swap3A_636 = arith.constant 3 : i32
    %swap3A_637 = arith.index_cast %swap3A_636 : i32 to index
    %swap3A_638 = arith.constant 0 : index
    %swap3A_639 = tpu.vector_load %arg10[%swap3A_637, %swap3A_638] {strides = array<i32>} : memref<4x128xf32, #tpu.memory_space<vmem>>, vector<1x16xf32>,
    %swap3A_640 = vector.shape_cast %swap3A_639 : vector<1x16xf32> to vector<16xf32>
    %swap3A_641 = vector.shape_cast %add3A_635 : vector<16xf32> to vector<1x16xf32>
    tpu.vector_store %arg10[%swap3A_637, %swap3A_638], %swap3A_641 {strides = array<i32>} : memref<4x128xf32, #tpu.memory_space<vmem>>, vector<1x16xf32>,
    %get3A_642 = arith.constant 3 : i32
    %get3A_643 = arith.index_cast %get3A_642 : i32 to index
    %get3A_644 = arith.constant 16 : index
    %get3A_645 = tpu.vector_load %arg10[%get3A_643, %get3A_644] {strides = array<i32>} : memref<4x128xf32, #tpu.memory_space<vmem>>, vector<1x16xf32>,
    %get3A_646 = vector.shape_cast %get3A_645 : vector<1x16xf32> to vector<16xf32>
    %get3A_647 = arith.constant 3 : i32
    %get3A_648 = arith.index_cast %get3A_647 : i32 to index
    %get3A_649 = arith.constant 16 : index
    %get3A_650 = tpu.vector_load %arg11[%get3A_648, %get3A_649] {strides = array<i32>} : memref<4x128xf32, #tpu.memory_space<vmem>>, vector<1x16xf32>,
    %get3A_651 = vector.shape_cast %get3A_650 : vector<1x16xf32> to vector<16xf32>
    %add3A_652 = arith.addf %get3A_646, %get3A_651 : vector<16xf32>
    %add3A_653 = arith.addf %add3A_652, %get3A_192 : vector<16xf32>
    %swap3A_654 = arith.constant 3 : i32
    %swap3A_655 = arith.index_cast %swap3A_654 : i32 to index
    %swap3A_656 = arith.constant 16 : index
    %swap3A_657 = tpu.vector_load %arg10[%swap3A_655, %swap3A_656] {strides = array<i32>} : memref<4x128xf32, #tpu.memory_space<vmem>>, vector<1x16xf32>,
    %swap3A_658 = vector.shape_cast %swap3A_657 : vector<1x16xf32> to vector<16xf32>
    %swap3A_659 = vector.shape_cast %add3A_653 : vector<16xf32> to vector<1x16xf32>
    tpu.vector_store %arg10[%swap3A_655, %swap3A_656], %swap3A_659 {strides = array<i32>} : memref<4x128xf32, #tpu.memory_space<vmem>>, vector<1x16xf32>,
    %get3A_660 = arith.constant 3 : i32
    %get3A_661 = arith.index_cast %get3A_660 : i32 to index
    %get3A_662 = arith.constant 32 : index
    %get3A_663 = tpu.vector_load %arg10[%get3A_661, %get3A_662] {strides = array<i32>} : memref<4x128xf32, #tpu.memory_space<vmem>>, vector<1x16xf32>,
    %get3A_664 = vector.shape_cast %get3A_663 : vector<1x16xf32> to vector<16xf32>
    %get3A_665 = arith.constant 3 : i32
    %get3A_666 = arith.index_cast %get3A_665 : i32 to index
    %get3A_667 = arith.constant 32 : index
    %get3A_668 = tpu.vector_load %arg11[%get3A_666, %get3A_667] {strides = array<i32>} : memref<4x128xf32, #tpu.memory_space<vmem>>, vector<1x16xf32>,
    %get3A_669 = vector.shape_cast %get3A_668 : vector<1x16xf32> to vector<16xf32>
    %add3A_670 = arith.addf %get3A_664, %get3A_669 : vector<16xf32>
    %add3A_671 = arith.addf %add3A_670, %get3A_192 : vector<16xf32>
    %swap3A_672 = arith.constant 3 : i32
    %swap3A_673 = arith.index_cast %swap3A_672 : i32 to index
    %swap3A_674 = arith.constant 32 : index
    %swap3A_675 = tpu.vector_load %arg10[%swap3A_673, %swap3A_674] {strides = array<i32>} : memref<4x128xf32, #tpu.memory_space<vmem>>, vector<1x16xf32>,
    %swap3A_676 = vector.shape_cast %swap3A_675 : vector<1x16xf32> to vector<16xf32>
    %swap3A_677 = vector.shape_cast %add3A_671 : vector<16xf32> to vector<1x16xf32>
    tpu.vector_store %arg10[%swap3A_673, %swap3A_674], %swap3A_677 {strides = array<i32>} : memref<4x128xf32, #tpu.memory_space<vmem>>, vector<1x16xf32>,
    %get3A_678 = arith.constant 3 : i32
    %get3A_679 = arith.index_cast %get3A_678 : i32 to index
    %get3A_680 = arith.constant 48 : index
    %get3A_681 = tpu.vector_load %arg10[%get3A_679, %get3A_680] {strides = array<i32>} : memref<4x128xf32, #tpu.memory_space<vmem>>, vector<1x16xf32>,
    %get3A_682 = vector.shape_cast %get3A_681 : vector<1x16xf32> to vector<16xf32>
    %get3A_683 = arith.constant 3 : i32
    %get3A_684 = arith.index_cast %get3A_683 : i32 to index
    %get3A_685 = arith.constant 48 : index
    %get3A_686 = tpu.vector_load %arg11[%get3A_684, %get3A_685] {strides = array<i32>} : memref<4x128xf32, #tpu.memory_space<vmem>>, vector<1x16xf32>,
    %get3A_687 = vector.shape_cast %get3A_686 : vector<1x16xf32> to vector<16xf32>
    %add3A_688 = arith.addf %get3A_682, %get3A_687 : vector<16xf32>
    %add3A_689 = arith.addf %add3A_688, %get3A_192 : vector<16xf32>
    %swap3A_690 = arith.constant 3 : i32
    %swap3A_691 = arith.index_cast %swap3A_690 : i32 to index
    %swap3A_692 = arith.constant 48 : index
    %swap3A_693 = tpu.vector_load %arg10[%swap3A_691, %swap3A_692] {strides = array<i32>} : memref<4x128xf32, #tpu.memory_space<vmem>>, vector<1x16xf32>,
    %swap3A_694 = vector.shape_cast %swap3A_693 : vector<1x16xf32> to vector<16xf32>
    %swap3A_695 = vector.shape_cast %add3A_689 : vector<16xf32> to vector<1x16xf32>
    tpu.vector_store %arg10[%swap3A_691, %swap3A_692], %swap3A_695 {strides = array<i32>} : memref<4x128xf32, #tpu.memory_space<vmem>>, vector<1x16xf32>,
    %get3A_696 = arith.constant 3 : i32
    %get3A_697 = arith.index_cast %get3A_696 : i32 to index
    %get3A_698 = arith.constant 64 : index
    %get3A_699 = tpu.vector_load %arg10[%get3A_697, %get3A_698] {strides = array<i32>} : memref<4x128xf32, #tpu.memory_space<vmem>>, vector<1x16xf32>,
    %get3A_700 = vector.shape_cast %get3A_699 : vector<1x16xf32> to vector<16xf32>
    %get3A_701 = arith.constant 3 : i32
    %get3A_702 = arith.index_cast %get3A_701 : i32 to index
    %get3A_703 = arith.constant 64 : index
    %get3A_704 = tpu.vector_load %arg11[%get3A_702, %get3A_703] {strides = array<i32>} : memref<4x128xf32, #tpu.memory_space<vmem>>, vector<1x16xf32>,
    %get3A_705 = vector.shape_cast %get3A_704 : vector<1x16xf32> to vector<16xf32>
    %add3A_706 = arith.addf %get3A_700, %get3A_705 : vector<16xf32>
    %add3A_707 = arith.addf %add3A_706, %get3A_192 : vector<16xf32>
    %swap3A_708 = arith.constant 3 : i32
    %swap3A_709 = arith.index_cast %swap3A_708 : i32 to index
    %swap3A_710 = arith.constant 64 : index
    %swap3A_711 = tpu.vector_load %arg10[%swap3A_709, %swap3A_710] {strides = array<i32>} : memref<4x128xf32, #tpu.memory_space<vmem>>, vector<1x16xf32>,
    %swap3A_712 = vector.shape_cast %swap3A_711 : vector<1x16xf32> to vector<16xf32>
    %swap3A_713 = vector.shape_cast %add3A_707 : vector<16xf32> to vector<1x16xf32>
    tpu.vector_store %arg10[%swap3A_709, %swap3A_710], %swap3A_713 {strides = array<i32>} : memref<4x128xf32, #tpu.memory_space<vmem>>, vector<1x16xf32>,
    %get3A_714 = arith.constant 3 : i32
    %get3A_715 = arith.index_cast %get3A_714 : i32 to index
    %get3A_716 = arith.constant 80 : index
    %get3A_717 = tpu.vector_load %arg10[%get3A_715, %get3A_716] {strides = array<i32>} : memref<4x128xf32, #tpu.memory_space<vmem>>, vector<1x16xf32>,
    %get3A_718 = vector.shape_cast %get3A_717 : vector<1x16xf32> to vector<16xf32>
    %get3A_719 = arith.constant 3 : i32
    %get3A_720 = arith.index_cast %get3A_719 : i32 to index
    %get3A_721 = arith.constant 80 : index
    %get3A_722 = tpu.vector_load %arg11[%get3A_720, %get3A_721] {strides = array<i32>} : memref<4x128xf32, #tpu.memory_space<vmem>>, vector<1x16xf32>,
    %get3A_723 = vector.shape_cast %get3A_722 : vector<1x16xf32> to vector<16xf32>
    %add3A_724 = arith.addf %get3A_718, %get3A_723 : vector<16xf32>
    %add3A_725 = arith.addf %add3A_724, %get3A_192 : vector<16xf32>
    %swap3A_726 = arith.constant 3 : i32
    %swap3A_727 = arith.index_cast %swap3A_726 : i32 to index
    %swap3A_728 = arith.constant 80 : index
    %swap3A_729 = tpu.vector_load %arg10[%swap3A_727, %swap3A_728] {strides = array<i32>} : memref<4x128xf32, #tpu.memory_space<vmem>>, vector<1x16xf32>,
    %swap3A_730 = vector.shape_cast %swap3A_729 : vector<1x16xf32> to vector<16xf32>
    %swap3A_731 = vector.shape_cast %add3A_725 : vector<16xf32> to vector<1x16xf32>
    tpu.vector_store %arg10[%swap3A_727, %swap3A_728], %swap3A_731 {strides = array<i32>} : memref<4x128xf32, #tpu.memory_space<vmem>>, vector<1x16xf32>,
    %get3A_732 = arith.constant 3 : i32
    %get3A_733 = arith.index_cast %get3A_732 : i32 to index
    %get3A_734 = arith.constant 96 : index
    %get3A_735 = tpu.vector_load %arg10[%get3A_733, %get3A_734] {strides = array<i32>} : memref<4x128xf32, #tpu.memory_space<vmem>>, vector<1x16xf32>,
    %get3A_736 = vector.shape_cast %get3A_735 : vector<1x16xf32> to vector<16xf32>
    %get3A_737 = arith.constant 3 : i32
    %get3A_738 = arith.index_cast %get3A_737 : i32 to index
    %get3A_739 = arith.constant 96 : index
    %get3A_740 = tpu.vector_load %arg11[%get3A_738, %get3A_739] {strides = array<i32>} : memref<4x128xf32, #tpu.memory_space<vmem>>, vector<1x16xf32>,
    %get3A_741 = vector.shape_cast %get3A_740 : vector<1x16xf32> to vector<16xf32>
    %add3A_742 = arith.addf %get3A_736, %get3A_741 : vector<16xf32>
    %add3A_743 = arith.addf %add3A_742, %get3A_192 : vector<16xf32>
    %swap3A_744 = arith.constant 3 : i32
    %swap3A_745 = arith.index_cast %swap3A_744 : i32 to index
    %swap3A_746 = arith.constant 96 : index
    %swap3A_747 = tpu.vector_load %arg10[%swap3A_745, %swap3A_746] {strides = array<i32>} : memref<4x128xf32, #tpu.memory_space<vmem>>, vector<1x16xf32>,
    %swap3A_748 = vector.shape_cast %swap3A_747 : vector<1x16xf32> to vector<16xf32>
    %swap3A_749 = vector.shape_cast %add3A_743 : vector<16xf32> to vector<1x16xf32>
    tpu.vector_store %arg10[%swap3A_745, %swap3A_746], %swap3A_749 {strides = array<i32>} : memref<4x128xf32, #tpu.memory_space<vmem>>, vector<1x16xf32>,
    %get3A_750 = arith.constant 3 : i32
    %get3A_751 = arith.index_cast %get3A_750 : i32 to index
    %get3A_752 = arith.constant 112 : index
    %get3A_753 = tpu.vector_load %arg10[%get3A_751, %get3A_752] {strides = array<i32>} : memref<4x128xf32, #tpu.memory_space<vmem>>, vector<1x16xf32>,
    %get3A_754 = vector.shape_cast %get3A_753 : vector<1x16xf32> to vector<16xf32>
    %get3A_755 = arith.constant 3 : i32
    %get3A_756 = arith.index_cast %get3A_755 : i32 to index
    %get3A_757 = arith.constant 112 : index
    %get3A_758 = tpu.vector_load %arg11[%get3A_756, %get3A_757] {strides = array<i32>} : memref<4x128xf32, #tpu.memory_space<vmem>>, vector<1x16xf32>,
    %get3A_759 = vector.shape_cast %get3A_758 : vector<1x16xf32> to vector<16xf32>
    %add3A_760 = arith.addf %get3A_754, %get3A_759 : vector<16xf32>
    %add3A_761 = arith.addf %add3A_760, %get3A_192 : vector<16xf32>
    %swap3A_762 = arith.constant 3 : i32
    %swap3A_763 = arith.index_cast %swap3A_762 : i32 to index
    %swap3A_764 = arith.constant 112 : index
    %swap3A_765 = tpu.vector_load %arg10[%swap3A_763, %swap3A_764] {strides = array<i32>} : memref<4x128xf32, #tpu.memory_space<vmem>>, vector<1x16xf32>,
    %swap3A_766 = vector.shape_cast %swap3A_765 : vector<1x16xf32> to vector<16xf32>
    %swap3A_767 = vector.shape_cast %add3A_761 : vector<16xf32> to vector<1x16xf32>
    tpu.vector_store %arg10[%swap3A_763, %swap3A_764], %swap3A_767 {strides = array<i32>} : memref<4x128xf32, #tpu.memory_space<vmem>>, vector<1x16xf32>,
    "tpu.region"() ({
      %run_scoped3A = tpu.sem_alloc : memref<!tpu.dma_semaphore, #tpu.memory_space<semaphore_mem>>
      %dma_start3A_768 = arith.constant 0 : i32
      %dma_start3A_769 = arith.constant 0 : i32
      %dma_start3A_770 = tpu.memref_slice %arg7[%add3A, %dma_start3A_768, %dma_start3A_769] : memref<32x4x128xf32, #tpu.memory_space<hbm>> -> memref<1x4x128xf32, #tpu.memory_space<hbm>>
      %dma_start3A_771 = tpu.memref_squeeze %dma_start3A_770 : memref<1x4x128xf32, #tpu.memory_space<hbm>> -> memref<4x128xf32, #tpu.memory_space<hbm>>
      %dma_start3A_772 = arith.constant 0 : i32
      %dma_start3A_773 = arith.constant 0 : i32
      %dma_start3A_774 = tpu.memref_slice %arg7[%add3A, %dma_start3A_772, %dma_start3A_773] : memref<32x4x128xf32, #tpu.memory_space<hbm>> -> memref<1x4x128xf32, #tpu.memory_space<hbm>>
      %dma_start3A_775 = tpu.memref_squeeze %dma_start3A_774 : memref<1x4x128xf32, #tpu.memory_space<hbm>> -> memref<4x128xf32, #tpu.memory_space<hbm>>
      tpu.enqueue_dma source(%arg10 : memref<4x128xf32, #tpu.memory_space<vmem>>) target(%dma_start3A_775 : memref<4x128xf32, #tpu.memory_space<hbm>>) target_semaphore(%run_scoped3A : memref<!tpu.dma_semaphore, #tpu.memory_space<semaphore_mem>>)
      %dma_wait3A_776 = arith.constant 0 : i32
      %dma_wait3A_777 = arith.constant 0 : i32
      %dma_wait3A_778 = tpu.memref_slice %arg7[%add3A, %dma_wait3A_776, %dma_wait3A_777] : memref<32x4x128xf32, #tpu.memory_space<hbm>> -> memref<1x4x128xf32, #tpu.memory_space<hbm>>
      %dma_wait3A_779 = tpu.memref_squeeze %dma_wait3A_778 : memref<1x4x128xf32, #tpu.memory_space<hbm>> -> memref<4x128xf32, #tpu.memory_space<hbm>>
      %dma_wait3A_780 = arith.constant 0 : i32
      %dma_wait3A_781 = arith.constant 0 : i32
      %dma_wait3A_782 = tpu.memref_slice %arg7[%add3A, %dma_wait3A_780, %dma_wait3A_781] : memref<32x4x128xf32, #tpu.memory_space<hbm>> -> memref<1x4x128xf32, #tpu.memory_space<hbm>>
      %dma_wait3A_783 = tpu.memref_squeeze %dma_wait3A_782 : memref<1x4x128xf32, #tpu.memory_space<hbm>> -> memref<4x128xf32, #tpu.memory_space<hbm>>
      tpu.wait_dma2 semaphore(%run_scoped3A : memref<!tpu.dma_semaphore, #tpu.memory_space<semaphore_mem>>) src(%arg10 : memref<4x128xf32, #tpu.memory_space<vmem>>) dst(%dma_wait3A_783 : memref<4x128xf32, #tpu.memory_space<hbm>>)
      tpu.yield
    }) : () -> ()
    return
  }
}

</mosaic_0001>

<sc_bundles>
// kernel: _bias_sc.3.cloned.1.call-start
scs
__scs_entry_jumppad:
0x0: {  	(pc) =	sbr.rel $0x88, $3  }
0x1: {  	(tag) =	ssettag $0x0;
	lr =	simm.s32 $0x1  }
0x2: {  	[smem:$0x3F9C] =	sst lr;
	_ =	strace $0xD0000000  }
0x3: {  	_ = 	snop  }
0x4: {  	_ = 	snop  }
0x5: {  	_ = 	snop  }
0x6: {  	_ = 	snop  }
0x7: {  	_ = 	snop  }
__scs_overlays_trampoline_lowered:
0x8: {  	[smem:$0x3FAB] =	sst s0  }
0x9: {  	[smem:$0x3FAC] =	sst s1  }
0xa: {  	[smem:$0x3FAD] =	sst s2  }
0xb: {  	[smem:$0x3FAE] =	sst s3  }
0xc: {  	[smem:$0x3FAF] =	sst s4  }
0xd: {  	[smem:$0x3FB0] =	sst s5  }
0xe: {  	[smem:$0x3FB1] =	sst s6  }
0xf: {  	[smem:$0x3FB2] =	sst s7  }
0x10: {  	[smem:$0x3FB3] =	sst s8  }
0x11: {  	[smem:$0x3FB4] =	sst s9;
	s0 =	simm.s32 @!p0 $0x0  }
0x12: {  	s1 =	sld [smem:$0x3F9A];
	s0 =	simm.s32 @p0 $0x1  }
0x13: {  	[smem:$0x3FB5] =	sst s0;
	s0 =	simm.s32 @!p1 $0x0  }
0x14: {  	s2 =	sld [smem:$0x3F99];
	s0 =	simm.s32 @p1 $0x1  }
0x15: {  	[smem:$0x3FB6] =	sst s0;
	s0 =	simm.s32 @!p2 $0x0  }
0x16: {  	s3 =	sld [smem:$0x3FDB];
	s0 =	simm.s32 @p2 $0x1  }
0x17: {  	s4 =	simm.s32 $0x1BF5;
	[smem:$0x3FB8] =	sst s0  }
0x18: {  	s0 =	sld [smem:$0x3F9B];
	_ =	swait.ge [sflag:s4], $0x0  }
0x19: {  	s7 =	sld [smem:$0x3F9C]  }
0x1a: {  	s8 =	sadd.s32 $0xFFFFE003, lr  }
0x1b: {  	s9 =	sadd.s32 $0xFFFFFEF7, lr;
	s5 =	simm.s32 $0xFFFFFFFF;
	p2 =	slt.u32 s8, $0xFFFFF086  }
0x1c: {  	p1 =	slt.u32 s9, $0xF7A;
	s5 =	simm.s32 @!p2 $0x0  }
0x1d: {  	s5 =	simm.s32 @p1 $0x1;
	p0 =	seq.s32 s7, s2  }
0x1e: {  	s7 =	smul.u32 @!p0 $0xF7A, s2;
	p2 =	seq.s32 @!p0 s5, $0x0  }
0x1f: {  	s9 =	smul.u32 $0xF7A, s1;
	s8 =	simm.s32 @!p0 $0x1BF5;
	p2 =	por !p2, p0  }
0x20: {  	[sflag:s8] =	ssyncset.s32 @!p0 $0xFFFFF086;
	s6 =	sadd.s32 @!p0 s3, s7;
	s7 =	simm.s32 @!p0 $0x108  }
0x21: {  	s3 =	sadd.s32 s3, s9;
	s6 =	sadd.s32 @!p0 $0x88, s6;
	s7 =	simm.s32 @p2 $0x1082  }
0x22: {  	[simem:s7], [sflag:s8] =	dma.local @!p0 [hbm:s6], $0xF7A  }
0x23: {  	s9 =	sor.u32 $0xD0000000, s2;
	s6 =	simm.s32 $0x108;
	_ =	swait.ge @!p0 [sflag:s8], $0x0  }
0x24: {  	s3 =	sadd.s32 $0x88, s3;
	s6 =	simm.s32 @!p1 $0x1082;
	[sflag:s4] =	ssyncset.s32 $0xFFFFF086  }
0x25: {  	[simem:s6], [sflag:s4] =	dma.local [hbm:s3], $0xF7A  }
0x26: {  	[smem:$0x3F9C] =	sst s1;
	(tag) =	ssettag s2;
	_ =	strace s9  }
0x27: {  	s1 =	sld [smem:$0x3FAC]  }
0x28: {  	s2 =	sld [smem:$0x3FAD]  }
0x29: {  	s4 =	sld [smem:$0x3FAF]  }
0x2a: {  	p0 =	seq.s32 s5, $0x0;
	s5 =	sld [smem:$0x3FB0]  }
0x2b: {  	s6 =	sld [smem:$0x3FB1]  }
0x2c: {  	s7 =	sld [smem:$0x3FB2]  }
0x2d: {  	s3 =	simm.s32 $0x108;
	s8 =	sld [smem:$0x3FB3]  }
0x2e: {  	s3 =	simm.s32 @!p0 $0x1082;
	s9 =	sld [smem:$0x3FB4]  }
0x2f: {  	lr =	sadd.s32 s0, s3;
	s0 =	sld [smem:$0x3FAB]  }
0x30: {  	s3 =	sld [smem:$0x3FAE]  }
0x31: {  	[smem:$0x3FB7] =	sst s10  }
0x32: {  	s10 =	sld [smem:$0x3FB5];
	_ =	sdelay $0x3  }
0x33: {  	p0 =	seq.s32 s10, $0x1;
	s10 =	sld [smem:$0x3FB7];
	_ =	sdelay $0x3  }
0x34: {  	[smem:$0x3FB7] =	sst s10  }
0x35: {  	s10 =	sld [smem:$0x3FB6];
	_ =	sdelay $0x3  }
0x36: {  	p1 =	seq.s32 s10, $0x1;
	s10 =	sld [smem:$0x3FB7];
	_ =	sdelay $0x3  }
0x37: {  	[smem:$0x3FB7] =	sst s10  }
0x38: {  	s10 =	sld [smem:$0x3FB8]  }
0x39: {  	_ = 	snop;
	(pc) =	sbr.ind lr, $3  }
0x3a: {  	_ = 	snop  }
0x3b: {  	_ = 	snop  }
0x3c: {  	p2 =	seq.s32 s10, $0x1;
	s10 =	sld [smem:$0x3FB7]  }
0x3d: {  	_ =	shalt  }
0x3e: {  	_ =	shalt  }
0x3f: {  	_ =	shalt  }
0x40: {  	_ =	shalt  }
0x41: {  	_ =	shalt  }
0x42: {  	_ =	shalt  }
0x43: {  	_ =	shalt  }
0x44: {  	_ =	shalt  }
0x45: {  	_ =	shalt  }
0x46: {  	_ =	shalt  }
0x47: {  	_ =	shalt  }
0x48: {  	_ =	shalt  }
0x49: {  	_ =	shalt  }
0x4a: {  	_ =	shalt  }
0x4b: {  	_ =	shalt  }
0x4c: {  	_ =	shalt  }
0x4d: {  	_ =	shalt  }
0x4e: {  	_ =	shalt  }
0x4f: {  	_ =	shalt  }
0x50: {  	_ =	shalt  }
0x51: {  	_ =	shalt  }
0x52: {  	_ =	shalt  }
0x53: {  	_ =	shalt  }
0x54: {  	_ =	shalt  }
0x55: {  	_ =	shalt  }
0x56: {  	_ =	shalt  }
0x57: {  	_ =	shalt  }
0x58: {  	_ =	shalt  }
0x59: {  	_ =	shalt  }
0x5a: {  	_ =	shalt  }
0x5b: {  	_ =	shalt  }
0x5c: {  	_ =	shalt  }
0x5d: {  	_ =	shalt  }
0x5e: {  	_ =	shalt  }
0x5f: {  	_ =	shalt  }
0x60: {  	_ =	shalt  }
0x61: {  	_ =	shalt  }
0x62: {  	_ =	shalt  }
0x63: {  	_ =	shalt  }
0x64: {  	_ =	shalt  }
0x65: {  	_ =	shalt  }
0x66: {  	_ =	shalt  }
0x67: {  	_ =	shalt  }
0x68: {  	_ =	shalt  }
0x69: {  	_ =	shalt  }
0x6a: {  	_ =	shalt  }
0x6b: {  	_ =	shalt  }
0x6c: {  	_ =	shalt  }
0x6d: {  	_ =	shalt  }
0x6e: {  	_ =	shalt  }
0x6f: {  	_ =	shalt  }
0x70: {  	_ =	shalt  }
0x71: {  	_ =	shalt  }
0x72: {  	_ =	shalt  }
0x73: {  	_ =	shalt  }
0x74: {  	_ =	shalt  }
0x75: {  	_ =	shalt  }
0x76: {  	_ =	shalt  }
0x77: {  	_ =	shalt  }
0x78: {  	_ =	shalt  }
0x79: {  	_ =	shalt  }
0x7a: {  	_ =	shalt  }
0x7b: {  	_ =	shalt  }
0x7c: {  	_ =	shalt  }
0x7d: {  	_ =	shalt  }
0x7e: {  	_ =	shalt  }
0x7f: {  	_ =	shalt  }
0x80: {  	_ =	shalt  }
0x81: {  	_ =	shalt  }
0x82: {  	_ =	shalt  }
0x83: {  	_ =	shalt  }
0x84: {  	_ =	shalt  }
0x85: {  	_ =	shalt  }
0x86: {  	_ =	shalt  }
0x87: {  	_ =	shalt  }
.Lfunc_end0:
.L_simem_size_0:
called_computation_lowered:
.L_overlay_start_0:
0x88: {  	s2 =	sld [smem:$0x3FD9]  }
0x89: {  	s3 =	sld [smem:$0x3FFE];
	_ =	sdelay $0x1  }
0x8a: {  	s1 =	srdreg.scid  }
0x8b: {  	s0 =	sand.u32 $0x1, s1  }
0x8c: {  	s18 =	sshll.u32 s0, $0xA;
	s2 =	sadd.s32 s3, s2  }
0x8d: {  	s2 =	sadd.s32 s2, s18  }
0x8e: {  	[smem:$0x3FC3] =	sst s2  }
0x8f: {  	_ = 	snop  }
0x90: {  	s2 =	sld [smem:$0x3FC9]  }
0x91: {  	s19 =	sld [smem:$0x3FC8]  }
0x92: {  	s4 =	sld [smem:$0x3FC7]  }
0x93: {  	s5 =	sld [smem:$0x3FC6]  }
0x94: {  	s6 =	sld [smem:$0x3FC5]  }
0x95: {  	s7 =	sld [smem:$0x3FD0];
	(tm) =	ssettm $0x1  }
0x96: {  	s8 =	sld [smem:$0x3FFB];
	_ =	sdelay $0x3  }
0x97: {  	_ =	strace s8  }
0x98: {  	s8 =	sld [smem:$0x3FFC];
	_ =	sdelay $0x3  }
0x99: {  	_ =	strace s8  }
0x9a: {  	s8 =	sld [smem:$0x3FFD];
	_ =	sdelay $0x3  }
0x9b: {  	_ =	strace s8  }
0x9c: {  	_ =	strace $0x8FFFFFFF  }
0x9d: {  	s20 =	sld [smem:$0x3FDB];
	_ =	sdelay $0x1  }
0x9e: {  	s9 =	simm.s32 $_scs_section_size  }
0x9f: {  	s10 =	simm.s32 $_size__tile_overlayer_lowered;
	s11 =	simm.s32 $_tile_overlayer_lowered  }
0xa0: {  	s23 =	simm.s32 $0x1BFF;
	s22 =	sshll.u32 s11, $0x1;
	s8 =	sadd.s32 s9, s20  }
0xa1: {  	s12 =	simm.s32 $0x0;
	s21 =	sshll.u32 s10, $0x1;
	s10 =	sadd.s32 s22, s8  }
0xa2: {  	[timem:s12], [sflag:s23] =	dma.local [hbm:s10], s21  }
0xa3: {  	_ =	swait.ge [sflag:s23], s21  }
0xa4: {  	s9 =	ssub.s32 $0x0, s21;
	[sflag:s23] =	ssyncset.done $0x0  }
0xa5: {  	[sflag:s23] =	ssyncadd.s32 s9;
	_ =	sdelay $0x1  }
0xa6: {  	s24 =	simm.s32 $0x1B8B  }
0xa7: {  	_ =	swait.ge [sflag:s24], $0x1  }
0xa8: {  	[sflag:s24] =	ssyncset.done $0x0  }
0xa9: {  	s25 =	simm.s32 $0x1B8E;
	[sflag:s24] =	ssyncadd.s32 $0xFFFFFFFF  }
0xaa: {  	s26 =	simm.s32 $execute0_lowered;
	[smem:$0x3FD2] =	sst s25  }
0xab: {  	s9 =	sshll.u32 s26, $0x1;
	_ =	strace $0x80000046;
	[dreg:$0x1] =	wrdreg $0xFFFFFFFF  }
0xac: {  	s28 =	simm.s32 $_size_execute0_lowered;
	s8 =	sadd.s32 s8, s9;
	[dreg:$0x0] =	wrdreg $0x0  }
0xad: {  	s9 =	sshll.u32 s28, $0x1;
	[dreg:$0x2] =	wrdreg s8  }
0xae: {  	[dreg:$0x3] =	wrdreg s9  }
0xaf: {  	[dreg:$0x4] =	wrdreg $0xC0  }
0xb0: {  	_ =	task [dreg:s12], $0x5FFFF  }
0xb1: {  	[dreg:$0x1] =	wrdreg $0xFFFFFFFF  }
0xb2: {  	[dreg:$0x0] =	wrdreg $0x60  }
0xb3: {  	[dreg:$0x2] =	wrdreg s2  }
0xb4: {  	[dreg:$0x3] =	wrdreg s19  }
0xb5: {  	[dreg:$0x4] =	wrdreg s4  }
0xb6: {  	[dreg:$0x5] =	wrdreg s5  }
0xb7: {  	[dreg:$0x6] =	wrdreg s6  }
0xb8: {  	[dreg:$0x7] =	wrdreg s7  }
0xb9: {  	[dreg:$0x8] =	wrdreg $0x9  }
0xba: {  	_ =	task.clear_ibuf [dreg:s12], $0x9FFFF;
	_ =	strace $0x90000046  }
0xbb: {  	s29 =	simm.s32 $0x9;
	_ =	strace $0x80000048  }
0xbc: {  	_ =	swait.ge [sflag:s29], $0x1  }
0xbd: {  	[sflag:s29] =	ssyncadd.s32 $0xFFFFFFFF  }
0xbe: {  	_ =	strace $0x90000048  }
0xbf: {  	_ =	sfence  }
0xc0: {  	s30 =	sld [smem:$0x0];
	_ =	sdelay $0x2  }
0xc1: {  	s31 =	sshll.u32 s1, $0xD;
	s1 =	sshrl.u32 s1, $0x2  }
0xc2: {  	s3 =	sand.u32 $0x4000, s31;
	s1 =	sadd.s32 s1, s30  }
0xc3: {  	s0 =	sor.u32 s3, s0;
	s1 =	sshll.u32 s1, $0x11  }
0xc4: {  	s0 =	sor.u32 s1, s0  }
0xc5: {  	s0 =	sadd.s32 $0x8F2B, s0  }
0xc6: {  	[sflag:s0] =	ssyncadd.remote.s32 $0x1  }
0xc7: {  	_ =	sfence.sel $0xFFFF  }
0xc8: {  	[dreg:$0x0] =	wrdreg $0xFFFFFFFF;
	(pc) =	sbr.abs _section_cstart, $3  }
0xc9: {  	[dreg:$0x1] =	wrdreg $0xFFFFFFFF  }
0xca: {  	_ =	task.clear_ibuf [dreg:s12], $0x2FFFF;
	_ =	strace $0x9FFFFFFF  }
0xcb: {  	(tm) =	ssettm $0x7FFFFFFF  }
tec
execute0_lowered:
.L_overlay_start_1:
0x0: {  	(tag) =	ssettag $0x1  }
0x1: {  	s1 =	rddreg [dreg:$0x0]  }
0x2: {  	s2 =	rddreg [dreg:$0x1]  }
0x3: {  	s6 =	rddreg [dreg:$0x2]  }
0x4: {  	s7 =	rddreg [dreg:$0x3]  }
0x5: {  	s3 =	rddreg [dreg:$0x4]  }
0x6: {  	s8 =	rddreg [dreg:$0x5]  }
0x7: {  	s0 =	rddreg [dreg:$0x6];
	s9 =	srdreg.scid  }
0x8: {  	s5 =	simm.s32 $0x0;
	s4 =	stileid.u32;
	s13 =	simm.s32 $0x80  }
0x9: {  	s14 =	simm.s32 $0x400;
	s15 =	simm.s32 $0x480;
	s16 =	simm.s32 $0x100  }
0xa: {  	s17 =	simm.s32 $0x500;
	s18 =	simm.s32 $0x180;
	s19 =	simm.s32 $0x580  }
0xb: {  	s20 =	simm.s32 $0x3;
	s21 =	simm.s32 $0x600;
	s22 =	simm.s32 $0x280  }
0xc: {  	s23 =	simm.s32 $0x680;
	s24 =	simm.s32 $0x300;
	s25 =	simm.s32 $0x700  }
0xd: {  	s26 =	simm.s32 $0x380;
	s28 =	simm.s32 $0x780;
	s29 =	simm.s32 $0x4  }
0xe: {  	s30 =	simm.s32 $0x1;
	s31 =	simm.s32 $0x5;
	s9 =	sand.u32 $0x1, s9  }
0xf: {  	s11 =	sshll.u32 s4, $0x7;
	[smem:$0x7FF] =	sst s5;
	s10 =	ssub.s32 $0x2, s9  }
0x10: {  	s9 =	sshll.u32 s9, $0x6;
	_ =	strace $0x80000047;
	s12 =	sshrl.u32 s10, $0x1  }
0x11: {  	s9 =	sor.u32 s9, s11;
	s11 =	simm.s32 $0x800;
	s10 =	ssub.s32 s10, s12  }
0x12: {  	s6 =	sadd.s32 s6, s9;
	s7 =	sadd.s32 s7, s9;
	s8 =	sadd.s32 s8, s9  }
0x13: {  	s12 =	simm.s32 $0x2;
	s9 =	smax.u32 s10, $0x1;
	s10 =	simm.s32 $0x200  }
.LBB2_1:
0x14: {  	[tilespmem:s5], [sflag:$0x2] =	stream.linear.gather [hbm4b:s6+s5], $0x200, $0x38;
	[tilespmem:$0x880] =	vst v63  }
0x15: {  	_ = 	snop  }
0x16: {  	[tilespmem:s10], [sflag:$0x3] =	stream.linear.gather [hbm4b:s7+s5], $0x200, $0x38;
	[tilespmem:$0x880] =	vst v63  }
0x17: {  	_ = 	snop  }
0x18: {  	[tilespmem:s11], [sflag:$0x4] =	stream.linear.gather [hbm4b:s3+s5], $0x80, $0x38;
	[tilespmem:$0x880] =	vst v63  }
0x19: {  	_ =	swait.ge [sflag:s12], $0x200  }
0x1a: {  	[sflag:s12] =	ssyncset.done $0x0  }
0x1b: {  	[sflag:s12] =	ssyncadd.s32 $0xFFFFFE00  }
0x1c: {  	[tilespmem:s14], [sflag:$0x1] =	stream.indirect.gather [hbm4b:s1+s13], $0x1, s5, s13, $0xb8;
	[tilespmem:$0x880] =	vst v63  }
0x1d: {  	_ = 	snop  }
0x1e: {  	[tilespmem:s15], [sflag:$0x1] =	stream.indirect.gather [hbm4b:s1+s13], $0x1, s13, s13, $0xb8;
	[tilespmem:$0x880] =	vst v63  }
0x1f: {  	_ = 	snop  }
0x20: {  	[tilespmem:s17], [sflag:$0x1] =	stream.indirect.gather [hbm4b:s1+s13], $0x1, s16, s13, $0xb8;
	[tilespmem:$0x880] =	vst v63  }
0x21: {  	_ = 	snop  }
0x22: {  	[tilespmem:s19], [sflag:$0x1] =	stream.indirect.gather [hbm4b:s1+s13], $0x1, s18, s13, $0xb8;
	[tilespmem:$0x880] =	vst v63  }
0x23: {  	_ =	swait.ge [sflag:s20], $0x200  }
0x24: {  	[sflag:s20] =	ssyncset.done $0x0  }
0x25: {  	[sflag:s20] =	ssyncadd.s32 $0xFFFFFE00  }
0x26: {  	[tilespmem:s21], [sflag:$0x1] =	stream.indirect.gather [hbm4b:s2+s13], $0x1, s10, s13, $0xb8;
	[tilespmem:$0x880] =	vst v63  }
0x27: {  	_ = 	snop  }
0x28: {  	[tilespmem:s23], [sflag:$0x1] =	stream.indirect.gather [hbm4b:s2+s13], $0x1, s22, s13, $0xb8;
	[tilespmem:$0x880] =	vst v63  }
0x29: {  	_ = 	snop  }
0x2a: {  	[tilespmem:s25], [sflag:$0x1] =	stream.indirect.gather [hbm4b:s2+s13], $0x1, s24, s13, $0xb8;
	[tilespmem:$0x880] =	vst v63  }
0x2b: {  	_ = 	snop  }
0x2c: {  	[tilespmem:s28], [sflag:$0x1] =	stream.indirect.gather [hbm4b:s2+s13], $0x1, s26, s13, $0xb8;
	[tilespmem:$0x880] =	vst v63  }
0x2d: {  	_ =	swait.ge [sflag:s29], $0x80  }
0x2e: {  	[sflag:s29] =	ssyncset.done $0x0  }
0x2f: {  	[sflag:s29] =	ssyncadd.s32 $0xFFFFFF80  }
0x30: {  	_ =	swait.ge [sflag:s30], $0x80  }
0x31: {  	[sflag:s30] =	ssyncset.done $0x0  }
0x32: {  	[sflag:s30] =	ssyncadd.s32 $0xFFFFFF80  }
0x33: {  	_ =	swait.ge [sflag:s30], $0x80  }
0x34: {  	[sflag:s30] =	ssyncset.done $0x0  }
0x35: {  	[sflag:s30] =	ssyncadd.s32 $0xFFFFFF80  }
0x36: {  	_ =	swait.ge [sflag:s30], $0x80  }
0x37: {  	[sflag:s30] =	ssyncset.done $0x0  }
0x38: {  	[sflag:s30] =	ssyncadd.s32 $0xFFFFFF80  }
0x39: {  	_ =	swait.ge [sflag:s30], $0x80  }
0x3a: {  	[sflag:s30] =	ssyncset.done $0x0  }
0x3b: {  	[sflag:s30] =	ssyncadd.s32 $0xFFFFFF80  }
0x3c: {  	_ =	swait.ge [sflag:s30], $0x80  }
0x3d: {  	[sflag:s30] =	ssyncset.done $0x0  }
0x3e: {  	[sflag:s30] =	ssyncadd.s32 $0xFFFFFF80  }
0x3f: {  	_ =	swait.ge [sflag:s30], $0x80  }
0x40: {  	[sflag:s30] =	ssyncset.done $0x0  }
0x41: {  	[sflag:s30] =	ssyncadd.s32 $0xFFFFFF80  }
0x42: {  	_ =	swait.ge [sflag:s30], $0x80  }
0x43: {  	[sflag:s30] =	ssyncset.done $0x0  }
0x44: {  	[sflag:s30] =	ssyncadd.s32 $0xFFFFFF80  }
0x45: {  	_ =	swait.ge [sflag:s30], $0x80  }
0x46: {  	[sflag:s30] =	ssyncset.done $0x0  }
0x47: {  	[sflag:s30] =	ssyncadd.s32 $0xFFFFFF80  }
0x48: {  	v0 =	vld [tilespmem:$0x800]  }
0x49: {  	v1 =	vld [tilespmem:$0x400]  }
0x4a: {  	v2 =	vld [tilespmem:$0x600]  }
0x4b: {  	v3 =	vld [tilespmem:$0x410]  }
0x4c: {  	v4 =	vld [tilespmem:$0x610]  }
0x4d: {  	v5 =	vld [tilespmem:$0x420]  }
0x4e: {  	v6 =	vld [tilespmem:$0x620]  }
0x4f: {  	v7 =	vld [tilespmem:$0x430]  }
0x50: {  	v8 =	vld [tilespmem:$0x630]  }
0x51: {  	v9 =	vld [tilespmem:$0x440]  }
0x52: {  	v10 =	vld [tilespmem:$0x640]  }
0x53: {  	v11 =	vld [tilespmem:$0x450]  }
0x54: {  	v12 =	vld [tilespmem:$0x650]  }
0x55: {  	v13 =	vld [tilespmem:$0x460]  }
0x56: {  	v14 =	vld [tilespmem:$0x660]  }
0x57: {  	v15 =	vld [tilespmem:$0x470]  }
0x58: {  	v16 =	vld [tilespmem:$0x670]  }
0x59: {  	v17 =	vld [tilespmem:$0x480]  }
0x5a: {  	v18 =	vld [tilespmem:$0x680]  }
0x5b: {  	v19 =	vld [tilespmem:$0x490]  }
0x5c: {  	v20 =	vld [tilespmem:$0x690]  }
0x5d: {  	v21 =	vld [tilespmem:$0x4A0]  }
0x5e: {  	v22 =	vld [tilespmem:$0x6A0]  }
0x5f: {  	v23 =	vld [tilespmem:$0x4B0]  }
0x60: {  	v24 =	vld [tilespmem:$0x6B0]  }
0x61: {  	v25 =	vld [tilespmem:$0x4C0]  }
0x62: {  	v26 =	vld [tilespmem:$0x6C0]  }
0x63: {  	v27 =	vld [tilespmem:$0x4D0]  }
0x64: {  	v28 =	vld [tilespmem:$0x6D0]  }
0x65: {  	v29 =	vld [tilespmem:$0x4E0]  }
0x66: {  	v30 =	vld [tilespmem:$0x6E0]  }
0x67: {  	v31 =	vld [tilespmem:$0x4F0]  }
0x68: {  	v32 =	vld [tilespmem:$0x6F0]  }
0x69: {  	v33 =	vld [tilespmem:$0x500]  }
0x6a: {  	v34 =	vld [tilespmem:$0x700]  }
0x6b: {  	v35 =	vld [tilespmem:$0x510]  }
0x6c: {  	v36 =	vld [tilespmem:$0x710]  }
0x6d: {  	v37 =	vld [tilespmem:$0x520]  }
0x6e: {  	v45 =	vld [tilespmem:$0x760];
	v1 =	vadd.f32 v2, v1;
	v3 =	vadd.f32 v4, v3  }
0x6f: {  	v48 =	vld [tilespmem:$0x570];
	v5 =	vadd.f32 v6, v5;
	v7 =	vadd.f32 v8, v7  }
0x70: {  	v51 =	vld [tilespmem:$0x770];
	v62 =	vadd.f32 v10, v9;
	v1 =	vadd.f32 v1, v0  }
0x71: {  	v54 =	vld [tilespmem:$0x580];
	v38 =	vadd.f32 v12, v11;
	v3 =	vadd.f32 v3, v0  }
0x72: {  	v57 =	vld [tilespmem:$0x780];
	v40 =	vadd.f32 v14, v13;
	v61 =	vadd.f32 v5, v0;
	[tilespmem:$0x400] =	vst v1  }
0x73: {  	v60 =	vld [tilespmem:$0x590];
	v42 =	vadd.f32 v16, v15;
	v63 =	vadd.f32 v7, v0;
	[tilespmem:$0x410] =	vst v3  }
0x74: {  	v2 =	vld [tilespmem:$0x720];
	v44 =	vadd.f32 v18, v17;
	v39 =	vadd.f32 v62, v0;
	[tilespmem:$0x420] =	vst v61  }
0x75: {  	v4 =	vld [tilespmem:$0x530];
	v47 =	vadd.f32 v20, v19;
	v41 =	vadd.f32 v38, v0;
	[tilespmem:$0x430] =	vst v63  }
0x76: {  	v6 =	vld [tilespmem:$0x730];
	v50 =	vadd.f32 v22, v21;
	v43 =	vadd.f32 v40, v0;
	[tilespmem:$0x440] =	vst v39  }
0x77: {  	v8 =	vld [tilespmem:$0x540];
	v53 =	vadd.f32 v24, v23;
	v46 =	vadd.f32 v42, v0;
	[tilespmem:$0x450] =	vst v41  }
0x78: {  	v9 =	vld [tilespmem:$0x740];
	v56 =	vadd.f32 v26, v25;
	v49 =	vadd.f32 v44, v0;
	[tilespmem:$0x460] =	vst v43  }
0x79: {  	v10 =	vld [tilespmem:$0x550];
	v59 =	vadd.f32 v28, v27;
	v52 =	vadd.f32 v47, v0;
	[tilespmem:$0x470] =	vst v46  }
0x7a: {  	v11 =	vld [tilespmem:$0x750];
	v25 =	vadd.f32 v32, v31;
	v55 =	vadd.f32 v50, v0;
	[tilespmem:$0x480] =	vst v49  }
0x7b: {  	v12 =	vld [tilespmem:$0x560];
	v28 =	vadd.f32 v34, v33;
	v58 =	vadd.f32 v53, v0;
	[tilespmem:$0x490] =	vst v52  }
0x7c: {  	v26 =	vld [tilespmem:$0x5A0];
	v31 =	vadd.f32 v36, v35;
	v24 =	vadd.f32 v59, v0;
	[tilespmem:$0x4A0] =	vst v55  }
0x7d: {  	v32 =	vld [tilespmem:$0x5B0];
	v62 =	vadd.f32 v30, v29;
	v30 =	vadd.f32 v25, v0;
	[tilespmem:$0x4B0] =	vst v58  }
0x7e: {  	v34 =	vld [tilespmem:$0x7B0];
	v33 =	vadd.f32 v28, v0;
	[tilespmem:$0x4D0] =	vst v24  }
0x7f: {  	v36 =	vld [tilespmem:$0x5C0];
	v35 =	vadd.f32 v31, v0;
	[tilespmem:$0x4F0] =	vst v30  }
0x80: {  	v29 =	vld [tilespmem:$0x7A0];
	v47 =	vadd.f32 v51, v48;
	v61 =	vadd.f32 v56, v0;
	[tilespmem:$0x500] =	vst v33  }
0x81: {  	v42 =	vld [tilespmem:$0x5D0];
	v50 =	vadd.f32 v57, v54;
	v27 =	vadd.f32 v62, v0;
	[tilespmem:$0x510] =	vst v35  }
0x82: {  	v48 =	vld [tilespmem:$0x5E0];
	v52 =	vadd.f32 v47, v0;
	v2 =	vadd.f32 v2, v37;
	[tilespmem:$0x4C0] =	vst v61  }
0x83: {  	v51 =	vld [tilespmem:$0x7E0];
	v55 =	vadd.f32 v50, v0;
	v4 =	vadd.f32 v6, v4;
	[tilespmem:$0x4E0] =	vst v27  }
0x84: {  	v54 =	vld [tilespmem:$0x5F0];
	v38 =	vadd.f32 v9, v8;
	[tilespmem:$0x570] =	vst v52;
	v37 =	vadd.f32 v2, v0  }
0x85: {  	v63 =	vld [tilespmem:$0x790];
	v41 =	vadd.f32 v11, v10;
	[tilespmem:$0x580] =	vst v55;
	v40 =	vadd.f32 v4, v0  }
0x86: {  	v39 =	vld [tilespmem:$0x7C0];
	v44 =	vadd.f32 v45, v12;
	v43 =	vadd.f32 v38, v0;
	[tilespmem:$0x520] =	vst v37  }
0x87: {  	v45 =	vld [tilespmem:$0x7D0];
	v58 =	vadd.f32 v34, v32;
	v46 =	vadd.f32 v41, v0;
	[tilespmem:$0x530] =	vst v40  }
0x88: {  	v57 =	vld [tilespmem:$0x7F0];
	v49 =	vadd.f32 v44, v0;
	v56 =	vadd.f32 v29, v26;
	[tilespmem:$0x540] =	vst v43  }
0x89: {  	v3 =	vadd.f32 v58, v0;
	v61 =	vadd.f32 v51, v48;
	[tilespmem:$0x550] =	vst v46  }
0x8a: {  	v53 =	vadd.f32 v63, v60;
	[tilespmem:$0x560] =	vst v49;
	v2 =	vadd.f32 v56, v0  }
0x8b: {  	v59 =	vadd.f32 v39, v36;
	[tilespmem:$0x5B0] =	vst v3;
	v63 =	vadd.f32 v61, v0  }
0x8c: {  	v60 =	vadd.f32 v45, v42;
	v4 =	vadd.f32 v53, v0;
	[tilespmem:$0x5A0] =	vst v2  }
0x8d: {  	v62 =	vadd.f32 v57, v54;
	v1 =	vadd.f32 v59, v0;
	[tilespmem:$0x5E0] =	vst v63  }
0x8e: {  	[tilespmem:$0x590] =	vst v4;
	v4 =	vadd.f32 v60, v0  }
0x8f: {  	[tilespmem:$0x5C0] =	vst v1;
	v0 =	vadd.f32 v62, v0  }
0x90: {  	p0 =	sne.s32 s9, $0x1;
	[tilespmem:$0x5D0] =	vst v4  }
.Ltmp0:
0x91: {  	[tilespmem:$0x5F0] =	vst v0;
	(pc) =	sbr.rel @p0 .LBB2_1-.Ltmp0, $4  }
0x92: {  	[hbm4b:s8+s5] =	stream.linear.scatter [tilespmem:s14], [sflag:$0x5], $0x200, $0x38;
	[tilespmem:$0x880] =	vst v63  }
0x93: {  	_ =	swait.ge [sflag:s31], $0x200  }
0x94: {  	[sflag:s31] =	ssyncset.done $0x0  }
0x95: {  	s9 =	sadd.s32 $0xFFFFFFFF, s9;
	[sflag:s31] =	ssyncadd.s32 $0xFFFFFE00  }
0x96: {  	_ =	sfence.sel $0x180000  }
0x97: {  	[bflag:$0x0] =	sbarrier.arrive $0xFFFF  }
0x98: {  	p0 =	sne.s32 s4, $0x0;
	_ =	strace $0x90000047  }
0x99: {  	s0 =	sadd.s32 @!p0 $0x100000, s0;
	[bflag:$0x2] =	sbarrier.arrive $0xFFFF  }
0x9a: {  	[sflag:s0] =	ssyncadd.tile.s32 @!p0 $0x1;
	_ =	shalt  }
.Lfunc_end2:
_tile_overlayer_lowered:
.L_overlay_start_2:
0x9b: {  	(tag) =	ssettag $0x2  }
0x9c: {  	s0 =	rddreg [dreg:$0x0];
	s2 =	stileid.u32  }
0x9d: {  	s1 =	rddreg [dreg:$0x1];
	p0 =	sne.s32 s2, $0x0  }
0x9e: {  	s3 =	rddreg [dreg:$0x2];
	[bflag:$0x3] =	sbarrier.arrive $0xFFFF;
	s2 =	simm.s32 @!p0 $0x1C05  }
0x9f: {  	[timem:s3], [sflag:s2] =	dma.local @!p0 [hbm:s0], s1  }
0xa0: {  	s0 =	simm.s32 @!p0 $0x5  }
0xa1: {  	_ =	swait.ge @!p0 [sflag:s0], s1  }
0xa2: {  	s1 =	ssub.s32 @!p0 $0x0, s1;
	[sflag:s0] =	ssyncset.done @!p0 $0x0  }
0xa3: {  	[sflag:s0] =	ssyncadd.s32 @!p0 s1  }
0xa4: {  	[bflag:$0x3] =	sbarrier.arrive $0xFFFF  }
0xa5: {  	_ =	shalt  }

</sc_bundles>
